<compile_context>
chip_gen: v7x
topology: tpu7x:2x2x1
jax: 0.10.2.dev20260603
libtpu: 0.0.44.dev20260713+nightly
codegen_flags: <defaults>
</compile_context>

<pallas_src>
import functools

import jax
import jax.numpy as jnp
from jax import lax
from jax.experimental import pallas as pl
from jax.experimental.pallas import tpu as pltpu
from jax.experimental.pallas import tpu_sc as plsc

N = 10000
E = 320000
D = 128

NC = 2
NS = 16
NW = NC * NS
C = 128
STEPS0 = 124
STEPS1 = 36
EP0 = STEPS0 * C
EP1 = STEPS1 * C
E_PAD = (EP0 + EP1) * NS
NPAD = 10240
RT = NPAD // NS
RT_LAST = N - (NS - 1) * RT

_mesh = plsc.VectorSubcoreMesh(core_axis_name="c", subcore_axis_name="s")


@functools.partial(
    pl.kernel,
    out_type=jax.ShapeDtypeStruct((NC, NPAD, D), jnp.float32),
    mesh=_mesh,
    scratch_types=[
        pltpu.VMEM((max(EP0, EP1),), jnp.int32),
        pltpu.VMEM((C,), jnp.int32),
        pltpu.VMEM((C,), jnp.int32),
        pltpu.VMEM((C, D), jnp.float32),
        pltpu.VMEM((C, D), jnp.float32),
        pltpu.VMEM_SHARED((NPAD, D), jnp.float32),
        pltpu.SemaphoreType.DMA,
        pltpu.SemaphoreType.DMA,
    ],
)
def _segment_sum(h_hbm, zeros_hbm, src_hbm, dst_hbm, out_hbm,
                 src_all, dst_v0, dst_v1, rows_v0, rows_v1, acc_sh,
                 sem0, sem1):
    cid = lax.axis_index("c")
    sid = lax.axis_index("s")
    last = sid == NS - 1
    r0 = sid * RT

    @pl.when(jnp.logical_and(cid == 0, jnp.logical_not(last)))
    def _():
        pltpu.sync_copy(h_hbm.at[pl.ds(r0, RT)], acc_sh.at[pl.ds(r0, RT)])

    @pl.when(jnp.logical_and(cid == 0, last))
    def _():
        pltpu.sync_copy(h_hbm.at[pl.ds(r0, RT_LAST)],
                        acc_sh.at[pl.ds(r0, RT_LAST)])

    @pl.when(jnp.logical_and(cid != 0, jnp.logical_not(last)))
    def _():
        pltpu.sync_copy(zeros_hbm.at[pl.ds(r0, RT)], acc_sh.at[pl.ds(r0, RT)])

    @pl.when(jnp.logical_and(cid != 0, last))
    def _():
        pltpu.sync_copy(zeros_hbm.at[pl.ds(r0, RT_LAST)],
                        acc_sh.at[pl.ds(r0, RT_LAST)])

    plsc.subcore_barrier()

    steps = jnp.where(cid == 0, STEPS0, STEPS1)
    base = jnp.where(cid == 0, sid * EP0, NS * EP0 + sid * EP1)
    dst_bufs = (dst_v0, dst_v1)
    row_bufs = (rows_v0, rows_v1)
    sems = (sem0, sem1)

    @pl.when(cid == 0)
    def _():
        pltpu.sync_copy(src_hbm.at[pl.ds(base, EP0)],
                        src_all.at[pl.ds(0, EP0)])

    @pl.when(cid != 0)
    def _():
        pltpu.sync_copy(src_hbm.at[pl.ds(base, EP1)],
                        src_all.at[pl.ds(0, EP1)])

    pltpu.async_copy(h_hbm.at[src_all.at[pl.ds(0, C)]], rows_v0, sem0)
    pltpu.async_copy(h_hbm.at[src_all.at[pl.ds(C, C)]], rows_v1, sem1)

    def body(k, carry):
        for t in range(2):
            j = 2 * k + t
            db, rb, sm = dst_bufs[t], row_bufs[t], sems[t]
            pltpu.make_async_copy(h_hbm.at[src_all.at[pl.ds(j * C, C)]],
                                  rb, sm).wait()
            pltpu.sync_copy(dst_hbm.at[pl.ds(base + j * C, C)], db)
            pltpu.sync_copy(rb, acc_sh.at[db], add=True)

            @pl.when(j + 2 < steps)
            def _():
                pltpu.async_copy(
                    h_hbm.at[src_all.at[pl.ds((j + 2) * C, C)]], rb, sm)
        return carry

    lax.fori_loop(0, steps // 2, body, 0)

    plsc.subcore_barrier()

    @pl.when(jnp.logical_not(last))
    def _():
        pltpu.sync_copy(acc_sh.at[pl.ds(r0, RT)],
                        out_hbm.at[cid, pl.ds(r0, RT)])

    @pl.when(last)
    def _():
        pltpu.sync_copy(acc_sh.at[pl.ds(r0, RT_LAST)],
                        out_hbm.at[cid, pl.ds(r0, RT_LAST)])


BN = 1000


def _mlp_body(p0_ref, p1_ref, wa_ref, ba_ref, wb_ref, bb_ref, o_ref):
    h = p0_ref[...] + p1_ref[...]
    a = jnp.maximum(
        jnp.dot(h, wa_ref[...], preferred_element_type=jnp.float32)
        + ba_ref[...], 0.0)
    o = jnp.maximum(
        jnp.dot(a, wb_ref[...], preferred_element_type=jnp.float32)
        + bb_ref[...], 0.0)
    o_ref[...] = o


def _mlp(p0, p1, Wa, ba, Wb, bb):
    return pl.pallas_call(
        _mlp_body,
        grid=(N // BN,),
        in_specs=[
            pl.BlockSpec((BN, D), lambda i: (i, 0)),
            pl.BlockSpec((BN, D), lambda i: (i, 0)),
            pl.BlockSpec((D, D), lambda i: (0, 0)),
            pl.BlockSpec((1, D), lambda i: (0, 0)),
            pl.BlockSpec((D, D), lambda i: (0, 0)),
            pl.BlockSpec((1, D), lambda i: (0, 0)),
        ],
        out_specs=pl.BlockSpec((BN, D), lambda i: (i, 0)),
        out_shape=jax.ShapeDtypeStruct((N, D), jnp.float32),
    )(p0, p1, Wa, ba.reshape(1, D), Wb, bb.reshape(1, D))


def kernel(x, edge_index, W1a, b1a, W1b, b1b, W2a, b2a, W2b, b2b):
    src = edge_index[0].astype(jnp.int32)
    dst = edge_index[1].astype(jnp.int32)
    pad = E_PAD - E
    src_p = jnp.concatenate([src, jnp.zeros((pad,), jnp.int32)])
    pad_dst = N + (jnp.arange(pad, dtype=jnp.int32) % (NPAD - N))
    dst_p = jnp.concatenate([dst, pad_dst])
    zeros = jnp.zeros((N, D), jnp.float32)

    p = _segment_sum(x, zeros, src_p, dst_p)
    h1 = _mlp(p[0], p[1], W1a, b1a, W1b, b1b)
    q = _segment_sum(h1, zeros, src_p, dst_p)
    h2 = _mlp(q[0], q[1], W2a, b2a, W2b, b2b)
    return h2

# --- scband reference (transcript-rebuilt; emitter-appended) ---
"""Pipeline reference for scband-double-ginconv-87230785782146 (READ-ONLY COPY).

The authoritative reference and input builder live on the scoring server;
editing this copy changes nothing except your own understanding.
"""

import jax, jax.numpy as jnp
import numpy as np

N = 10000
E = 320000
D_IN = 128
D_OUT = 128

def setup_inputs(seed: int = 0) -> dict:
    key = jax.random.key(seed)
    ks = jax.random.split(key, 10)
    x = jax.random.normal(ks[0], (N, D_IN), dtype=jnp.float32)
    edge_index = jax.random.randint(ks[1], (2, E), 0, N, dtype=jnp.int64)
    # GINConv 1 MLP: Linear(D_IN, D_OUT) -> ReLU -> Linear(D_OUT, D_OUT) -> ReLU
    W1a = jax.random.normal(ks[2], (D_IN, D_OUT), dtype=jnp.float32) * 0.05
    b1a = jnp.zeros((D_OUT,), dtype=jnp.float32)
    W1b = jax.random.normal(ks[3], (D_OUT, D_OUT), dtype=jnp.float32) * 0.05
    b1b = jnp.zeros((D_OUT,), dtype=jnp.float32)
    # GINConv 2 MLP: Linear(D_OUT, D_OUT) -> ReLU -> Linear(D_OUT, D_OUT) -> ReLU
    W2a = jax.random.normal(ks[4], (D_OUT, D_OUT), dtype=jnp.float32) * 0.05
    b2a = jnp.zeros((D_OUT,), dtype=jnp.float32)
    W2b = jax.random.normal(ks[5], (D_OUT, D_OUT), dtype=jnp.float32) * 0.05
    b2b = jnp.zeros((D_OUT,), dtype=jnp.float32)
    return {"x": x, "edge_index": edge_index,
            "W1a": W1a, "b1a": b1a, "W1b": W1b, "b1b": b1b,
            "W2a": W2a, "b2a": b2a, "W2b": W2b, "b2b": b2b}

def _gin_conv(x, src, dst, Wa, ba, Wb, bb):
    # GIN: h = MLP((1 + eps) * x + sum_{j in N(i)} x_j), eps = 0 (PyG default)
    msgs = jnp.take(x, src, axis=0)
    agg = jax.ops.segment_sum(msgs, dst, num_segments=x.shape[0])
    h = x + agg
    h = jax.nn.relu(h @ Wa + ba)
    h = jax.nn.relu(h @ Wb + bb)
    return h

def reference(x, edge_index, W1a, b1a, W1b, b1b, W2a, b2a, W2b, b2b):
    src = edge_index[0]
    dst = edge_index[1]
    h = _gin_conv(x, src, dst, W1a, b1a, W1b, b1b)
    h = jax.nn.relu(h)
    h = _gin_conv(h, src, dst, W2a, b2a, W2b, b2b)
    h = jax.nn.relu(h)
    return h

if __name__ == "__main__":
    import jax
    _d = setup_inputs()
    print(jax.jit(kernel)(*tuple(_d.values())))

</pallas_src>

<mosaic_0001>
#map = affine_map<(d0, d1) -> (0, 0)>
#map1 = affine_map<(d0, d1) -> (0)>
#map2 = affine_map<(d0, d1) -> (0, 0, 0)>
module attributes {stable_mosaic.version = 14 : i64} {
  func.func @_segment_sum(%arg0: i32, %arg1: i32, %arg2: memref<10000x128xf32, #tpu.memory_space<hbm>>, %arg3: memref<10000x128xf32, #tpu.memory_space<hbm>>, %arg4: memref<327680xi32, #tpu.memory_space<hbm>>, %arg5: memref<327680xi32, #tpu.memory_space<hbm>>, %arg6: memref<2x10240x128xf32, #tpu.memory_space<hbm>>, %arg7: memref<15872xi32, #tpu.memory_space<vmem>>, %arg8: memref<128xi32, #tpu.memory_space<vmem>>, %arg9: memref<128xi32, #tpu.memory_space<vmem>>, %arg10: memref<128x128xf32, #tpu.memory_space<vmem>>, %arg11: memref<128x128xf32, #tpu.memory_space<vmem>>, %arg12: memref<10240x128xf32, #tpu.memory_space<vmem_shared>>, %arg13: memref<!tpu.dma_semaphore, #tpu.memory_space<semaphore_mem>>, %arg14: memref<!tpu.dma_semaphore, #tpu.memory_space<semaphore_mem>>) attributes {dimension_semantics = [#tpu.dimension_semantics<core_parallel>, #tpu.dimension_semantics<subcore_parallel>], iteration_bounds = array<i64: 2, 16>, scalar_prefetch = 0 : i64, scratch_operands = 8 : i64, tpu.core_type = #tpu.core_type<sc_vector_subcore>, window_params = [{transform_indices = #map}, {transform_indices = #map}, {transform_indices = #map1}, {transform_indices = #map1}, {transform_indices = #map2}]} {
    %eq3A = arith.constant 15 : i32
    %eq3A_0 = arith.cmpi eq, %arg1, %eq3A : i32
    %mul3A = arith.constant 640 : i32
    %mul3A_1 = arith.muli %arg1, %mul3A : i32
    %eq3A_2 = arith.constant 0 : i32
    %eq3A_3 = arith.cmpi eq, %arg0, %eq3A_2 : i32
    %not3A = arith.constant true
    %not3A_4 = arith.xori %eq3A_0, %not3A : i1
    %and3A = arith.andi %eq3A_3, %not3A_4 : i1
    %convert_element_type3A = arith.extui %and3A : i1 to i32
    %cond3A = arith.constant 0 : i32
    %cond3A_5 = arith.cmpi ne, %convert_element_type3A, %cond3A : i32
    scf.if %cond3A_5 {
      "tpu.region"() ({
        %run_scoped3A = tpu.sem_alloc : memref<!tpu.dma_semaphore, #tpu.memory_space<semaphore_mem>>
        %dma_start3A_93 = arith.constant 0 : i32
        %dma_start3A_94 = tpu.memref_slice %arg12[%mul3A_1, %dma_start3A_93] : memref<10240x128xf32, #tpu.memory_space<vmem_shared>> -> memref<640x128xf32, #tpu.memory_space<vmem_shared>>
        %dma_start3A_95 = arith.constant 0 : i32
        %dma_start3A_96 = tpu.memref_slice %arg2[%mul3A_1, %dma_start3A_95] : memref<10000x128xf32, #tpu.memory_space<hbm>> -> memref<640x128xf32, #tpu.memory_space<hbm>>
        tpu.enqueue_dma source(%dma_start3A_96 : memref<640x128xf32, #tpu.memory_space<hbm>>) target(%dma_start3A_94 : memref<640x128xf32, #tpu.memory_space<vmem_shared>>) target_semaphore(%run_scoped3A : memref<!tpu.dma_semaphore, #tpu.memory_space<semaphore_mem>>)
        %dma_wait3A = arith.constant 0 : i32
        %dma_wait3A_97 = tpu.memref_slice %arg12[%mul3A_1, %dma_wait3A] : memref<10240x128xf32, #tpu.memory_space<vmem_shared>> -> memref<640x128xf32, #tpu.memory_space<vmem_shared>>
        %dma_wait3A_98 = arith.constant 0 : i32
        %dma_wait3A_99 = tpu.memref_slice %arg2[%mul3A_1, %dma_wait3A_98] : memref<10000x128xf32, #tpu.memory_space<hbm>> -> memref<640x128xf32, #tpu.memory_space<hbm>>
        tpu.wait_dma2 semaphore(%run_scoped3A : memref<!tpu.dma_semaphore, #tpu.memory_space<semaphore_mem>>) src(%dma_wait3A_99 : memref<640x128xf32, #tpu.memory_space<hbm>>) dst(%dma_wait3A_97 : memref<640x128xf32, #tpu.memory_space<vmem_shared>>)
        tpu.yield
      }) : () -> ()
    } else {
    }
    %eq3A_6 = arith.constant 0 : i32
    %eq3A_7 = arith.cmpi eq, %arg0, %eq3A_6 : i32
    %and3A_8 = arith.andi %eq3A_7, %eq3A_0 : i1
    %convert_element_type3A_9 = arith.extui %and3A_8 : i1 to i32
    %cond3A_10 = arith.constant 0 : i32
    %cond3A_11 = arith.cmpi ne, %convert_element_type3A_9, %cond3A_10 : i32
    scf.if %cond3A_11 {
      "tpu.region"() ({
        %run_scoped3A = tpu.sem_alloc : memref<!tpu.dma_semaphore, #tpu.memory_space<semaphore_mem>>
        %dma_start3A_93 = arith.constant 0 : i32
        %dma_start3A_94 = tpu.memref_slice %arg12[%mul3A_1, %dma_start3A_93] : memref<10240x128xf32, #tpu.memory_space<vmem_shared>> -> memref<400x128xf32, #tpu.memory_space<vmem_shared>>
        %dma_start3A_95 = arith.constant 0 : i32
        %dma_start3A_96 = tpu.memref_slice %arg2[%mul3A_1, %dma_start3A_95] : memref<10000x128xf32, #tpu.memory_space<hbm>> -> memref<400x128xf32, #tpu.memory_space<hbm>>
        tpu.enqueue_dma source(%dma_start3A_96 : memref<400x128xf32, #tpu.memory_space<hbm>>) target(%dma_start3A_94 : memref<400x128xf32, #tpu.memory_space<vmem_shared>>) target_semaphore(%run_scoped3A : memref<!tpu.dma_semaphore, #tpu.memory_space<semaphore_mem>>)
        %dma_wait3A = arith.constant 0 : i32
        %dma_wait3A_97 = tpu.memref_slice %arg12[%mul3A_1, %dma_wait3A] : memref<10240x128xf32, #tpu.memory_space<vmem_shared>> -> memref<400x128xf32, #tpu.memory_space<vmem_shared>>
        %dma_wait3A_98 = arith.constant 0 : i32
        %dma_wait3A_99 = tpu.memref_slice %arg2[%mul3A_1, %dma_wait3A_98] : memref<10000x128xf32, #tpu.memory_space<hbm>> -> memref<400x128xf32, #tpu.memory_space<hbm>>
        tpu.wait_dma2 semaphore(%run_scoped3A : memref<!tpu.dma_semaphore, #tpu.memory_space<semaphore_mem>>) src(%dma_wait3A_99 : memref<400x128xf32, #tpu.memory_space<hbm>>) dst(%dma_wait3A_97 : memref<400x128xf32, #tpu.memory_space<vmem_shared>>)
        tpu.yield
      }) : () -> ()
    } else {
    }
    %ne3A = arith.constant 0 : i32
    %ne3A_12 = arith.cmpi ne, %arg0, %ne3A : i32
    %not3A_13 = arith.constant true
    %not3A_14 = arith.xori %eq3A_0, %not3A_13 : i1
    %and3A_15 = arith.andi %ne3A_12, %not3A_14 : i1
    %convert_element_type3A_16 = arith.extui %and3A_15 : i1 to i32
    %cond3A_17 = arith.constant 0 : i32
    %cond3A_18 = arith.cmpi ne, %convert_element_type3A_16, %cond3A_17 : i32
    scf.if %cond3A_18 {
      "tpu.region"() ({
        %run_scoped3A = tpu.sem_alloc : memref<!tpu.dma_semaphore, #tpu.memory_space<semaphore_mem>>
        %dma_start3A_93 = arith.constant 0 : i32
        %dma_start3A_94 = tpu.memref_slice %arg12[%mul3A_1, %dma_start3A_93] : memref<10240x128xf32, #tpu.memory_space<vmem_shared>> -> memref<640x128xf32, #tpu.memory_space<vmem_shared>>
        %dma_start3A_95 = arith.constant 0 : i32
        %dma_start3A_96 = tpu.memref_slice %arg3[%mul3A_1, %dma_start3A_95] : memref<10000x128xf32, #tpu.memory_space<hbm>> -> memref<640x128xf32, #tpu.memory_space<hbm>>
        tpu.enqueue_dma source(%dma_start3A_96 : memref<640x128xf32, #tpu.memory_space<hbm>>) target(%dma_start3A_94 : memref<640x128xf32, #tpu.memory_space<vmem_shared>>) target_semaphore(%run_scoped3A : memref<!tpu.dma_semaphore, #tpu.memory_space<semaphore_mem>>)
        %dma_wait3A = arith.constant 0 : i32
        %dma_wait3A_97 = tpu.memref_slice %arg12[%mul3A_1, %dma_wait3A] : memref<10240x128xf32, #tpu.memory_space<vmem_shared>> -> memref<640x128xf32, #tpu.memory_space<vmem_shared>>
        %dma_wait3A_98 = arith.constant 0 : i32
        %dma_wait3A_99 = tpu.memref_slice %arg3[%mul3A_1, %dma_wait3A_98] : memref<10000x128xf32, #tpu.memory_space<hbm>> -> memref<640x128xf32, #tpu.memory_space<hbm>>
        tpu.wait_dma2 semaphore(%run_scoped3A : memref<!tpu.dma_semaphore, #tpu.memory_space<semaphore_mem>>) src(%dma_wait3A_99 : memref<640x128xf32, #tpu.memory_space<hbm>>) dst(%dma_wait3A_97 : memref<640x128xf32, #tpu.memory_space<vmem_shared>>)
        tpu.yield
      }) : () -> ()
    } else {
    }
    %ne3A_19 = arith.constant 0 : i32
    %ne3A_20 = arith.cmpi ne, %arg0, %ne3A_19 : i32
    %and3A_21 = arith.andi %ne3A_20, %eq3A_0 : i1
    %convert_element_type3A_22 = arith.extui %and3A_21 : i1 to i32
    %cond3A_23 = arith.constant 0 : i32
    %cond3A_24 = arith.cmpi ne, %convert_element_type3A_22, %cond3A_23 : i32
    scf.if %cond3A_24 {
      "tpu.region"() ({
        %run_scoped3A = tpu.sem_alloc : memref<!tpu.dma_semaphore, #tpu.memory_space<semaphore_mem>>
        %dma_start3A_93 = arith.constant 0 : i32
        %dma_start3A_94 = tpu.memref_slice %arg12[%mul3A_1, %dma_start3A_93] : memref<10240x128xf32, #tpu.memory_space<vmem_shared>> -> memref<400x128xf32, #tpu.memory_space<vmem_shared>>
        %dma_start3A_95 = arith.constant 0 : i32
        %dma_start3A_96 = tpu.memref_slice %arg3[%mul3A_1, %dma_start3A_95] : memref<10000x128xf32, #tpu.memory_space<hbm>> -> memref<400x128xf32, #tpu.memory_space<hbm>>
        tpu.enqueue_dma source(%dma_start3A_96 : memref<400x128xf32, #tpu.memory_space<hbm>>) target(%dma_start3A_94 : memref<400x128xf32, #tpu.memory_space<vmem_shared>>) target_semaphore(%run_scoped3A : memref<!tpu.dma_semaphore, #tpu.memory_space<semaphore_mem>>)
        %dma_wait3A = arith.constant 0 : i32
        %dma_wait3A_97 = tpu.memref_slice %arg12[%mul3A_1, %dma_wait3A] : memref<10240x128xf32, #tpu.memory_space<vmem_shared>> -> memref<400x128xf32, #tpu.memory_space<vmem_shared>>
        %dma_wait3A_98 = arith.constant 0 : i32
        %dma_wait3A_99 = tpu.memref_slice %arg3[%mul3A_1, %dma_wait3A_98] : memref<10000x128xf32, #tpu.memory_space<hbm>> -> memref<400x128xf32, #tpu.memory_space<hbm>>
        tpu.wait_dma2 semaphore(%run_scoped3A : memref<!tpu.dma_semaphore, #tpu.memory_space<semaphore_mem>>) src(%dma_wait3A_99 : memref<400x128xf32, #tpu.memory_space<hbm>>) dst(%dma_wait3A_97 : memref<400x128xf32, #tpu.memory_space<vmem_shared>>)
        tpu.yield
      }) : () -> ()
    } else {
    }
    %barrier3A = arith.constant 0 : index
    tpu.barrier barrier_id(%barrier3A)
    %eq3A_25 = arith.constant 0 : i32
    %eq3A_26 = arith.cmpi eq, %arg0, %eq3A_25 : i32
    %jit3A = arith.constant 124 : i32
    %jit3A_27 = arith.constant 36 : i32
    %select_n3A = arith.select %eq3A_26, %jit3A, %jit3A_27 : i32
    %eq3A_28 = arith.constant 0 : i32
    %eq3A_29 = arith.cmpi eq, %arg0, %eq3A_28 : i32
    %mul3A_30 = arith.constant 15872 : i32
    %mul3A_31 = arith.muli %arg1, %mul3A_30 : i32
    %mul3A_32 = arith.constant 4608 : i32
    %mul3A_33 = arith.muli %arg1, %mul3A_32 : i32
    %add3A = arith.constant 253952 : i32
    %add3A_34 = arith.addi %add3A, %mul3A_33 : i32
    %select_n3A_35 = arith.select %eq3A_29, %mul3A_31, %add3A_34 : i32
    %eq3A_36 = arith.constant 0 : i32
    %eq3A_37 = arith.cmpi eq, %arg0, %eq3A_36 : i32
    %convert_element_type3A_38 = arith.extui %eq3A_37 : i1 to i32
    %cond3A_39 = arith.constant 0 : i32
    %cond3A_40 = arith.cmpi ne, %convert_element_type3A_38, %cond3A_39 : i32
    scf.if %cond3A_40 {
      "tpu.region"() ({
        %run_scoped3A = tpu.sem_alloc : memref<!tpu.dma_semaphore, #tpu.memory_space<semaphore_mem>>
        %dma_start3A_93 = arith.constant 0 : i32
        %dma_start3A_94 = tpu.memref_slice %arg7[%dma_start3A_93] : memref<15872xi32, #tpu.memory_space<vmem>> -> memref<15872xi32, #tpu.memory_space<vmem>>
        %dma_start3A_95 = tpu.memref_slice %arg4[%select_n3A_35] : memref<327680xi32, #tpu.memory_space<hbm>> -> memref<15872xi32, #tpu.memory_space<hbm>>
        %dma_start3A_96 = arith.constant 0 : i32
        %dma_start3A_97 = tpu.memref_slice %arg7[%dma_start3A_96] : memref<15872xi32, #tpu.memory_space<vmem>> -> memref<15872xi32, #tpu.memory_space<vmem>>
        %dma_start3A_98 = tpu.memref_slice %arg4[%select_n3A_35] : memref<327680xi32, #tpu.memory_space<hbm>> -> memref<15872xi32, #tpu.memory_space<hbm>>
        tpu.enqueue_dma source(%dma_start3A_98 : memref<15872xi32, #tpu.memory_space<hbm>>) target(%dma_start3A_97 : memref<15872xi32, #tpu.memory_space<vmem>>) target_semaphore(%run_scoped3A : memref<!tpu.dma_semaphore, #tpu.memory_space<semaphore_mem>>)
        %dma_wait3A = arith.constant 0 : i32
        %dma_wait3A_99 = tpu.memref_slice %arg7[%dma_wait3A] : memref<15872xi32, #tpu.memory_space<vmem>> -> memref<15872xi32, #tpu.memory_space<vmem>>
        %dma_wait3A_100 = tpu.memref_slice %arg4[%select_n3A_35] : memref<327680xi32, #tpu.memory_space<hbm>> -> memref<15872xi32, #tpu.memory_space<hbm>>
        %dma_wait3A_101 = arith.constant 0 : i32
        %dma_wait3A_102 = tpu.memref_slice %arg7[%dma_wait3A_101] : memref<15872xi32, #tpu.memory_space<vmem>> -> memref<15872xi32, #tpu.memory_space<vmem>>
        %dma_wait3A_103 = tpu.memref_slice %arg4[%select_n3A_35] : memref<327680xi32, #tpu.memory_space<hbm>> -> memref<15872xi32, #tpu.memory_space<hbm>>
        tpu.wait_dma2 semaphore(%run_scoped3A : memref<!tpu.dma_semaphore, #tpu.memory_space<semaphore_mem>>) src(%dma_wait3A_103 : memref<15872xi32, #tpu.memory_space<hbm>>) dst(%dma_wait3A_102 : memref<15872xi32, #tpu.memory_space<vmem>>)
        tpu.yield
      }) : () -> ()
    } else {
    }
    %ne3A_41 = arith.constant 0 : i32
    %ne3A_42 = arith.cmpi ne, %arg0, %ne3A_41 : i32
    %convert_element_type3A_43 = arith.extui %ne3A_42 : i1 to i32
    %cond3A_44 = arith.constant 0 : i32
    %cond3A_45 = arith.cmpi ne, %convert_element_type3A_43, %cond3A_44 : i32
    scf.if %cond3A_45 {
      "tpu.region"() ({
        %run_scoped3A = tpu.sem_alloc : memref<!tpu.dma_semaphore, #tpu.memory_space<semaphore_mem>>
        %dma_start3A_93 = arith.constant 0 : i32
        %dma_start3A_94 = tpu.memref_slice %arg7[%dma_start3A_93] : memref<15872xi32, #tpu.memory_space<vmem>> -> memref<4608xi32, #tpu.memory_space<vmem>>
        %dma_start3A_95 = tpu.memref_slice %arg4[%select_n3A_35] : memref<327680xi32, #tpu.memory_space<hbm>> -> memref<4608xi32, #tpu.memory_space<hbm>>
        %dma_start3A_96 = arith.constant 0 : i32
        %dma_start3A_97 = tpu.memref_slice %arg7[%dma_start3A_96] : memref<15872xi32, #tpu.memory_space<vmem>> -> memref<4608xi32, #tpu.memory_space<vmem>>
        %dma_start3A_98 = tpu.memref_slice %arg4[%select_n3A_35] : memref<327680xi32, #tpu.memory_space<hbm>> -> memref<4608xi32, #tpu.memory_space<hbm>>
        tpu.enqueue_dma source(%dma_start3A_98 : memref<4608xi32, #tpu.memory_space<hbm>>) target(%dma_start3A_97 : memref<4608xi32, #tpu.memory_space<vmem>>) target_semaphore(%run_scoped3A : memref<!tpu.dma_semaphore, #tpu.memory_space<semaphore_mem>>)
        %dma_wait3A = arith.constant 0 : i32
        %dma_wait3A_99 = tpu.memref_slice %arg7[%dma_wait3A] : memref<15872xi32, #tpu.memory_space<vmem>> -> memref<4608xi32, #tpu.memory_space<vmem>>
        %dma_wait3A_100 = tpu.memref_slice %arg4[%select_n3A_35] : memref<327680xi32, #tpu.memory_space<hbm>> -> memref<4608xi32, #tpu.memory_space<hbm>>
        %dma_wait3A_101 = arith.constant 0 : i32
        %dma_wait3A_102 = tpu.memref_slice %arg7[%dma_wait3A_101] : memref<15872xi32, #tpu.memory_space<vmem>> -> memref<4608xi32, #tpu.memory_space<vmem>>
        %dma_wait3A_103 = tpu.memref_slice %arg4[%select_n3A_35] : memref<327680xi32, #tpu.memory_space<hbm>> -> memref<4608xi32, #tpu.memory_space<hbm>>
        tpu.wait_dma2 semaphore(%run_scoped3A : memref<!tpu.dma_semaphore, #tpu.memory_space<semaphore_mem>>) src(%dma_wait3A_103 : memref<4608xi32, #tpu.memory_space<hbm>>) dst(%dma_wait3A_102 : memref<4608xi32, #tpu.memory_space<vmem>>)
        tpu.yield
      }) : () -> ()
    } else {
    }
    %dma_start3A = arith.constant 0 : i32
    %dma_start3A_46 = tpu.memref_slice %arg7[%dma_start3A] : memref<15872xi32, #tpu.memory_space<vmem>> -> memref<128xi32, #tpu.memory_space<vmem>>
    %dma_start3A_47 = arith.constant 0 : i32
    %dma_start3A_48 = arith.constant 0 : i32
    %dma_start3A_49 = tpu.memref_slice %arg2[%dma_start3A_47, %dma_start3A_48] : memref<10000x128xf32, #tpu.memory_space<hbm>> -> memref<10000x128xf32, #tpu.memory_space<hbm>>
    tpu.enqueue_indirect_dma source(%dma_start3A_49 : memref<10000x128xf32, #tpu.memory_space<hbm>>) target(%arg10 : memref<128x128xf32, #tpu.memory_space<vmem>>) offsets(%dma_start3A_46 : memref<128xi32, #tpu.memory_space<vmem>>) semaphore(%arg13 : memref<!tpu.dma_semaphore, #tpu.memory_space<semaphore_mem>>)
    %dma_start3A_50 = arith.constant 128 : i32
    %dma_start3A_51 = tpu.memref_slice %arg7[%dma_start3A_50] : memref<15872xi32, #tpu.memory_space<vmem>> -> memref<128xi32, #tpu.memory_space<vmem>>
    %dma_start3A_52 = arith.constant 0 : i32
    %dma_start3A_53 = arith.constant 0 : i32
    %dma_start3A_54 = tpu.memref_slice %arg2[%dma_start3A_52, %dma_start3A_53] : memref<10000x128xf32, #tpu.memory_space<hbm>> -> memref<10000x128xf32, #tpu.memory_space<hbm>>
    tpu.enqueue_indirect_dma source(%dma_start3A_54 : memref<10000x128xf32, #tpu.memory_space<hbm>>) target(%arg11 : memref<128x128xf32, #tpu.memory_space<vmem>>) offsets(%dma_start3A_51 : memref<128xi32, #tpu.memory_space<vmem>>) semaphore(%arg14 : memref<!tpu.dma_semaphore, #tpu.memory_space<semaphore_mem>>)
    %jit3A_55 = arith.constant 2 : i32
    %div3A = arith.divsi %select_n3A, %jit3A_55 : i32
    %sign3A = arith.constant 0 : i32
    %sign3A_56 = arith.cmpi sgt, %select_n3A, %sign3A : i32
    %sign3A_57 = arith.extui %sign3A_56 : i1 to i32
    %sign3A_58 = arith.constant 0 : i32
    %sign3A_59 = arith.cmpi slt, %select_n3A, %sign3A_58 : i32
    %sign3A_60 = arith.extui %sign3A_59 : i1 to i32
    %sign3A_61 = arith.subi %sign3A_57, %sign3A_60 : i32
    %sign3A_62 = arith.constant 0 : i32
    %sign3A_63 = arith.cmpi sgt, %jit3A_55, %sign3A_62 : i32
    %sign3A_64 = arith.extui %sign3A_63 : i1 to i32
    %sign3A_65 = arith.constant 0 : i32
    %sign3A_66 = arith.cmpi slt, %jit3A_55, %sign3A_65 : i32
    %sign3A_67 = arith.extui %sign3A_66 : i1 to i32
    %sign3A_68 = arith.subi %sign3A_64, %sign3A_67 : i32
    %ne3A_69 = arith.cmpi ne, %sign3A_61, %sign3A_68 : i32
    %rem3A = arith.remsi %select_n3A, %jit3A_55 : i32
    %ne3A_70 = arith.constant 0 : i32
    %ne3A_71 = arith.cmpi ne, %rem3A, %ne3A_70 : i32
    %and3A_72 = arith.andi %ne3A_69, %ne3A_71 : i1
    %sub3A = arith.constant 1 : i32
    %sub3A_73 = arith.subi %div3A, %sub3A : i32
    %select_n3A_74 = arith.select %and3A_72, %sub3A_73, %div3A : i32
    %while3A = arith.constant 0 : i32
    %while3A_75 = arith.constant 0 : i32
    %while3A_76 = arith.subi %select_n3A_74, %while3A_75 : i32
    %while3A_77 = arith.addi %while3A_75, %while3A_76 : i32
    %while3A_78 = arith.constant 1 : i32
    %while3A_79 = arith.divsi %while3A_76, %while3A_78 : i32
    %while3A_80 = arith.muli %while3A_79, %while3A_78 : i32
    %while3A_81 = arith.addi %while3A_75, %while3A_80 : i32
    %while3A_82 = arith.constant 1 : i32
    scf.for %while3A_93 = %while3A_75 to %while3A_81 step %while3A_82  : i32 {
      %mul3A_94 = arith.constant 2 : i32
      %mul3A_95 = arith.muli %mul3A_94, %while3A_93 : i32
      %add3A_96 = arith.constant 0 : i32
      %add3A_97 = arith.addi %mul3A_95, %add3A_96 : i32
      %mul3A_98 = arith.constant 128 : i32
      %mul3A_99 = arith.muli %add3A_97, %mul3A_98 : i32
      %dma_wait3A = tpu.memref_slice %arg7[%mul3A_99] : memref<15872xi32, #tpu.memory_space<vmem>> -> memref<128xi32, #tpu.memory_space<vmem>>
      %dma_wait3A_100 = arith.constant 0 : i32
      %dma_wait3A_101 = arith.constant 0 : i32
      %dma_wait3A_102 = tpu.memref_slice %arg2[%dma_wait3A_100, %dma_wait3A_101] : memref<10000x128xf32, #tpu.memory_space<hbm>> -> memref<10000x128xf32, #tpu.memory_space<hbm>>
      tpu.wait_indirect_dma semaphore(%arg13 : memref<!tpu.dma_semaphore, #tpu.memory_space<semaphore_mem>>) src(%dma_wait3A_102 : memref<10000x128xf32, #tpu.memory_space<hbm>>) dst(%arg10 : memref<128x128xf32, #tpu.memory_space<vmem>>)
      %mul3A_103 = arith.constant 128 : i32
      %mul3A_104 = arith.muli %add3A_97, %mul3A_103 : i32
      %add3A_105 = arith.addi %select_n3A_35, %mul3A_104 : i32
      "tpu.region"() ({
        %run_scoped3A = tpu.sem_alloc : memref<!tpu.dma_semaphore, #tpu.memory_space<semaphore_mem>>
        %dma_start3A_130 = tpu.memref_slice %arg5[%add3A_105] : memref<327680xi32, #tpu.memory_space<hbm>> -> memref<128xi32, #tpu.memory_space<hbm>>
        %dma_start3A_131 = tpu.memref_slice %arg5[%add3A_105] : memref<327680xi32, #tpu.memory_space<hbm>> -> memref<128xi32, #tpu.memory_space<hbm>>
        tpu.enqueue_dma source(%dma_start3A_131 : memref<128xi32, #tpu.memory_space<hbm>>) target(%arg8 : memref<128xi32, #tpu.memory_space<vmem>>) target_semaphore(%run_scoped3A : memref<!tpu.dma_semaphore, #tpu.memory_space<semaphore_mem>>)
        %dma_wait3A_132 = tpu.memref_slice %arg5[%add3A_105] : memref<327680xi32, #tpu.memory_space<hbm>> -> memref<128xi32, #tpu.memory_space<hbm>>
        %dma_wait3A_133 = tpu.memref_slice %arg5[%add3A_105] : memref<327680xi32, #tpu.memory_space<hbm>> -> memref<128xi32, #tpu.memory_space<hbm>>
        tpu.wait_dma2 semaphore(%run_scoped3A : memref<!tpu.dma_semaphore, #tpu.memory_space<semaphore_mem>>) src(%dma_wait3A_133 : memref<128xi32, #tpu.memory_space<hbm>>) dst(%arg8 : memref<128xi32, #tpu.memory_space<vmem>>)
        tpu.yield
      }) : () -> ()
      "tpu.region"() ({
        %run_scoped3A = tpu.sem_alloc : memref<!tpu.dma_semaphore, #tpu.memory_space<semaphore_mem>>
        %dma_start3A_130 = arith.constant 0 : i32
        %dma_start3A_131 = arith.constant 0 : i32
        %dma_start3A_132 = tpu.memref_slice %arg12[%dma_start3A_130, %dma_start3A_131] : memref<10240x128xf32, #tpu.memory_space<vmem_shared>> -> memref<10240x128xf32, #tpu.memory_space<vmem_shared>>
        tpu.enqueue_indirect_dma source(%arg10 : memref<128x128xf32, #tpu.memory_space<vmem>>) target(%dma_start3A_132 : memref<10240x128xf32, #tpu.memory_space<vmem_shared>>) offsets(%arg8 : memref<128xi32, #tpu.memory_space<vmem>>) semaphore(%run_scoped3A : memref<!tpu.dma_semaphore, #tpu.memory_space<semaphore_mem>>) {add = true}
        %dma_wait3A_133 = arith.constant 0 : i32
        %dma_wait3A_134 = arith.constant 0 : i32
        %dma_wait3A_135 = tpu.memref_slice %arg12[%dma_wait3A_133, %dma_wait3A_134] : memref<10240x128xf32, #tpu.memory_space<vmem_shared>> -> memref<10240x128xf32, #tpu.memory_space<vmem_shared>>
        tpu.wait_indirect_dma semaphore(%run_scoped3A : memref<!tpu.dma_semaphore, #tpu.memory_space<semaphore_mem>>) src(%arg10 : memref<128x128xf32, #tpu.memory_space<vmem>>) dst(%dma_wait3A_135 : memref<10240x128xf32, #tpu.memory_space<vmem_shared>>)
        tpu.yield
      }) : () -> ()
      %add3A_106 = arith.constant 2 : i32
      %add3A_107 = arith.addi %add3A_97, %add3A_106 : i32
      %lt3A = arith.cmpi slt, %add3A_107, %select_n3A : i32
      %convert_element_type3A_108 = arith.extui %lt3A : i1 to i32
      %cond3A_109 = arith.constant 0 : i32
      %cond3A_110 = arith.cmpi ne, %convert_element_type3A_108, %cond3A_109 : i32
      scf.if %cond3A_110 {
        %add3A_130 = arith.constant 2 : i32
        %add3A_131 = arith.addi %add3A_97, %add3A_130 : i32
        %mul3A_132 = arith.constant 128 : i32
        %mul3A_133 = arith.muli %add3A_131, %mul3A_132 : i32
        %dma_start3A_134 = tpu.memref_slice %arg7[%mul3A_133] : memref<15872xi32, #tpu.memory_space<vmem>> -> memref<128xi32, #tpu.memory_space<vmem>>
        %dma_start3A_135 = arith.constant 0 : i32
        %dma_start3A_136 = arith.constant 0 : i32
        %dma_start3A_137 = tpu.memref_slice %arg2[%dma_start3A_135, %dma_start3A_136] : memref<10000x128xf32, #tpu.memory_space<hbm>> -> memref<10000x128xf32, #tpu.memory_space<hbm>>
        tpu.enqueue_indirect_dma source(%dma_start3A_137 : memref<10000x128xf32, #tpu.memory_space<hbm>>) target(%arg10 : memref<128x128xf32, #tpu.memory_space<vmem>>) offsets(%dma_start3A_134 : memref<128xi32, #tpu.memory_space<vmem>>) semaphore(%arg13 : memref<!tpu.dma_semaphore, #tpu.memory_space<semaphore_mem>>)
      } else {
      }
      %mul3A_111 = arith.constant 2 : i32
      %mul3A_112 = arith.muli %mul3A_111, %while3A_93 : i32
      %add3A_113 = arith.constant 1 : i32
      %add3A_114 = arith.addi %mul3A_112, %add3A_113 : i32
      %mul3A_115 = arith.constant 128 : i32
      %mul3A_116 = arith.muli %add3A_114, %mul3A_115 : i32
      %dma_wait3A_117 = tpu.memref_slice %arg7[%mul3A_116] : memref<15872xi32, #tpu.memory_space<vmem>> -> memref<128xi32, #tpu.memory_space<vmem>>
      %dma_wait3A_118 = arith.constant 0 : i32
      %dma_wait3A_119 = arith.constant 0 : i32
      %dma_wait3A_120 = tpu.memref_slice %arg2[%dma_wait3A_118, %dma_wait3A_119] : memref<10000x128xf32, #tpu.memory_space<hbm>> -> memref<10000x128xf32, #tpu.memory_space<hbm>>
      tpu.wait_indirect_dma semaphore(%arg14 : memref<!tpu.dma_semaphore, #tpu.memory_space<semaphore_mem>>) src(%dma_wait3A_120 : memref<10000x128xf32, #tpu.memory_space<hbm>>) dst(%arg11 : memref<128x128xf32, #tpu.memory_space<vmem>>)
      %mul3A_121 = arith.constant 128 : i32
      %mul3A_122 = arith.muli %add3A_114, %mul3A_121 : i32
      %add3A_123 = arith.addi %select_n3A_35, %mul3A_122 : i32
      "tpu.region"() ({
        %run_scoped3A = tpu.sem_alloc : memref<!tpu.dma_semaphore, #tpu.memory_space<semaphore_mem>>
        %dma_start3A_130 = tpu.memref_slice %arg5[%add3A_123] : memref<327680xi32, #tpu.memory_space<hbm>> -> memref<128xi32, #tpu.memory_space<hbm>>
        %dma_start3A_131 = tpu.memref_slice %arg5[%add3A_123] : memref<327680xi32, #tpu.memory_space<hbm>> -> memref<128xi32, #tpu.memory_space<hbm>>
        tpu.enqueue_dma source(%dma_start3A_131 : memref<128xi32, #tpu.memory_space<hbm>>) target(%arg9 : memref<128xi32, #tpu.memory_space<vmem>>) target_semaphore(%run_scoped3A : memref<!tpu.dma_semaphore, #tpu.memory_space<semaphore_mem>>)
        %dma_wait3A_132 = tpu.memref_slice %arg5[%add3A_123] : memref<327680xi32, #tpu.memory_space<hbm>> -> memref<128xi32, #tpu.memory_space<hbm>>
        %dma_wait3A_133 = tpu.memref_slice %arg5[%add3A_123] : memref<327680xi32, #tpu.memory_space<hbm>> -> memref<128xi32, #tpu.memory_space<hbm>>
        tpu.wait_dma2 semaphore(%run_scoped3A : memref<!tpu.dma_semaphore, #tpu.memory_space<semaphore_mem>>) src(%dma_wait3A_133 : memref<128xi32, #tpu.memory_space<hbm>>) dst(%arg9 : memref<128xi32, #tpu.memory_space<vmem>>)
        tpu.yield
      }) : () -> ()
      "tpu.region"() ({
        %run_scoped3A = tpu.sem_alloc : memref<!tpu.dma_semaphore, #tpu.memory_space<semaphore_mem>>
        %dma_start3A_130 = arith.constant 0 : i32
        %dma_start3A_131 = arith.constant 0 : i32
        %dma_start3A_132 = tpu.memref_slice %arg12[%dma_start3A_130, %dma_start3A_131] : memref<10240x128xf32, #tpu.memory_space<vmem_shared>> -> memref<10240x128xf32, #tpu.memory_space<vmem_shared>>
        tpu.enqueue_indirect_dma source(%arg11 : memref<128x128xf32, #tpu.memory_space<vmem>>) target(%dma_start3A_132 : memref<10240x128xf32, #tpu.memory_space<vmem_shared>>) offsets(%arg9 : memref<128xi32, #tpu.memory_space<vmem>>) semaphore(%run_scoped3A : memref<!tpu.dma_semaphore, #tpu.memory_space<semaphore_mem>>) {add = true}
        %dma_wait3A_133 = arith.constant 0 : i32
        %dma_wait3A_134 = arith.constant 0 : i32
        %dma_wait3A_135 = tpu.memref_slice %arg12[%dma_wait3A_133, %dma_wait3A_134] : memref<10240x128xf32, #tpu.memory_space<vmem_shared>> -> memref<10240x128xf32, #tpu.memory_space<vmem_shared>>
        tpu.wait_indirect_dma semaphore(%run_scoped3A : memref<!tpu.dma_semaphore, #tpu.memory_space<semaphore_mem>>) src(%arg11 : memref<128x128xf32, #tpu.memory_space<vmem>>) dst(%dma_wait3A_135 : memref<10240x128xf32, #tpu.memory_space<vmem_shared>>)
        tpu.yield
      }) : () -> ()
      %add3A_124 = arith.constant 2 : i32
      %add3A_125 = arith.addi %add3A_114, %add3A_124 : i32
      %lt3A_126 = arith.cmpi slt, %add3A_125, %select_n3A : i32
      %convert_element_type3A_127 = arith.extui %lt3A_126 : i1 to i32
      %cond3A_128 = arith.constant 0 : i32
      %cond3A_129 = arith.cmpi ne, %convert_element_type3A_127, %cond3A_128 : i32
      scf.if %cond3A_129 {
        %add3A_130 = arith.constant 2 : i32
        %add3A_131 = arith.addi %add3A_114, %add3A_130 : i32
        %mul3A_132 = arith.constant 128 : i32
        %mul3A_133 = arith.muli %add3A_131, %mul3A_132 : i32
        %dma_start3A_134 = tpu.memref_slice %arg7[%mul3A_133] : memref<15872xi32, #tpu.memory_space<vmem>> -> memref<128xi32, #tpu.memory_space<vmem>>
        %dma_start3A_135 = arith.constant 0 : i32
        %dma_start3A_136 = arith.constant 0 : i32
        %dma_start3A_137 = tpu.memref_slice %arg2[%dma_start3A_135, %dma_start3A_136] : memref<10000x128xf32, #tpu.memory_space<hbm>> -> memref<10000x128xf32, #tpu.memory_space<hbm>>
        tpu.enqueue_indirect_dma source(%dma_start3A_137 : memref<10000x128xf32, #tpu.memory_space<hbm>>) target(%arg11 : memref<128x128xf32, #tpu.memory_space<vmem>>) offsets(%dma_start3A_134 : memref<128xi32, #tpu.memory_space<vmem>>) semaphore(%arg14 : memref<!tpu.dma_semaphore, #tpu.memory_space<semaphore_mem>>)
      } else {
      }
    }
    %while3A_83 = arith.constant 1 : i32
    scf.for %while3A_93 = %while3A_81 to %while3A_77 step %while3A_83  : i32 {
      %mul3A_94 = arith.constant 2 : i32
      %mul3A_95 = arith.muli %mul3A_94, %while3A_93 : i32
      %add3A_96 = arith.constant 0 : i32
      %add3A_97 = arith.addi %mul3A_95, %add3A_96 : i32
      %mul3A_98 = arith.constant 128 : i32
      %mul3A_99 = arith.muli %add3A_97, %mul3A_98 : i32
      %dma_wait3A = tpu.memref_slice %arg7[%mul3A_99] : memref<15872xi32, #tpu.memory_space<vmem>> -> memref<128xi32, #tpu.memory_space<vmem>>
      %dma_wait3A_100 = arith.constant 0 : i32
      %dma_wait3A_101 = arith.constant 0 : i32
      %dma_wait3A_102 = tpu.memref_slice %arg2[%dma_wait3A_100, %dma_wait3A_101] : memref<10000x128xf32, #tpu.memory_space<hbm>> -> memref<10000x128xf32, #tpu.memory_space<hbm>>
      tpu.wait_indirect_dma semaphore(%arg13 : memref<!tpu.dma_semaphore, #tpu.memory_space<semaphore_mem>>) src(%dma_wait3A_102 : memref<10000x128xf32, #tpu.memory_space<hbm>>) dst(%arg10 : memref<128x128xf32, #tpu.memory_space<vmem>>)
      %mul3A_103 = arith.constant 128 : i32
      %mul3A_104 = arith.muli %add3A_97, %mul3A_103 : i32
      %add3A_105 = arith.addi %select_n3A_35, %mul3A_104 : i32
      "tpu.region"() ({
        %run_scoped3A = tpu.sem_alloc : memref<!tpu.dma_semaphore, #tpu.memory_space<semaphore_mem>>
        %dma_start3A_130 = tpu.memref_slice %arg5[%add3A_105] : memref<327680xi32, #tpu.memory_space<hbm>> -> memref<128xi32, #tpu.memory_space<hbm>>
        %dma_start3A_131 = tpu.memref_slice %arg5[%add3A_105] : memref<327680xi32, #tpu.memory_space<hbm>> -> memref<128xi32, #tpu.memory_space<hbm>>
        tpu.enqueue_dma source(%dma_start3A_131 : memref<128xi32, #tpu.memory_space<hbm>>) target(%arg8 : memref<128xi32, #tpu.memory_space<vmem>>) target_semaphore(%run_scoped3A : memref<!tpu.dma_semaphore, #tpu.memory_space<semaphore_mem>>)
        %dma_wait3A_132 = tpu.memref_slice %arg5[%add3A_105] : memref<327680xi32, #tpu.memory_space<hbm>> -> memref<128xi32, #tpu.memory_space<hbm>>
        %dma_wait3A_133 = tpu.memref_slice %arg5[%add3A_105] : memref<327680xi32, #tpu.memory_space<hbm>> -> memref<128xi32, #tpu.memory_space<hbm>>
        tpu.wait_dma2 semaphore(%run_scoped3A : memref<!tpu.dma_semaphore, #tpu.memory_space<semaphore_mem>>) src(%dma_wait3A_133 : memref<128xi32, #tpu.memory_space<hbm>>) dst(%arg8 : memref<128xi32, #tpu.memory_space<vmem>>)
        tpu.yield
      }) : () -> ()
      "tpu.region"() ({
        %run_scoped3A = tpu.sem_alloc : memref<!tpu.dma_semaphore, #tpu.memory_space<semaphore_mem>>
        %dma_start3A_130 = arith.constant 0 : i32
        %dma_start3A_131 = arith.constant 0 : i32
        %dma_start3A_132 = tpu.memref_slice %arg12[%dma_start3A_130, %dma_start3A_131] : memref<10240x128xf32, #tpu.memory_space<vmem_shared>> -> memref<10240x128xf32, #tpu.memory_space<vmem_shared>>
        tpu.enqueue_indirect_dma source(%arg10 : memref<128x128xf32, #tpu.memory_space<vmem>>) target(%dma_start3A_132 : memref<10240x128xf32, #tpu.memory_space<vmem_shared>>) offsets(%arg8 : memref<128xi32, #tpu.memory_space<vmem>>) semaphore(%run_scoped3A : memref<!tpu.dma_semaphore, #tpu.memory_space<semaphore_mem>>) {add = true}
        %dma_wait3A_133 = arith.constant 0 : i32
        %dma_wait3A_134 = arith.constant 0 : i32
        %dma_wait3A_135 = tpu.memref_slice %arg12[%dma_wait3A_133, %dma_wait3A_134] : memref<10240x128xf32, #tpu.memory_space<vmem_shared>> -> memref<10240x128xf32, #tpu.memory_space<vmem_shared>>
        tpu.wait_indirect_dma semaphore(%run_scoped3A : memref<!tpu.dma_semaphore, #tpu.memory_space<semaphore_mem>>) src(%arg10 : memref<128x128xf32, #tpu.memory_space<vmem>>) dst(%dma_wait3A_135 : memref<10240x128xf32, #tpu.memory_space<vmem_shared>>)
        tpu.yield
      }) : () -> ()
      %add3A_106 = arith.constant 2 : i32
      %add3A_107 = arith.addi %add3A_97, %add3A_106 : i32
      %lt3A = arith.cmpi slt, %add3A_107, %select_n3A : i32
      %convert_element_type3A_108 = arith.extui %lt3A : i1 to i32
      %cond3A_109 = arith.constant 0 : i32
      %cond3A_110 = arith.cmpi ne, %convert_element_type3A_108, %cond3A_109 : i32
      scf.if %cond3A_110 {
        %add3A_130 = arith.constant 2 : i32
        %add3A_131 = arith.addi %add3A_97, %add3A_130 : i32
        %mul3A_132 = arith.constant 128 : i32
        %mul3A_133 = arith.muli %add3A_131, %mul3A_132 : i32
        %dma_start3A_134 = tpu.memref_slice %arg7[%mul3A_133] : memref<15872xi32, #tpu.memory_space<vmem>> -> memref<128xi32, #tpu.memory_space<vmem>>
        %dma_start3A_135 = arith.constant 0 : i32
        %dma_start3A_136 = arith.constant 0 : i32
        %dma_start3A_137 = tpu.memref_slice %arg2[%dma_start3A_135, %dma_start3A_136] : memref<10000x128xf32, #tpu.memory_space<hbm>> -> memref<10000x128xf32, #tpu.memory_space<hbm>>
        tpu.enqueue_indirect_dma source(%dma_start3A_137 : memref<10000x128xf32, #tpu.memory_space<hbm>>) target(%arg10 : memref<128x128xf32, #tpu.memory_space<vmem>>) offsets(%dma_start3A_134 : memref<128xi32, #tpu.memory_space<vmem>>) semaphore(%arg13 : memref<!tpu.dma_semaphore, #tpu.memory_space<semaphore_mem>>)
      } else {
      }
      %mul3A_111 = arith.constant 2 : i32
      %mul3A_112 = arith.muli %mul3A_111, %while3A_93 : i32
      %add3A_113 = arith.constant 1 : i32
      %add3A_114 = arith.addi %mul3A_112, %add3A_113 : i32
      %mul3A_115 = arith.constant 128 : i32
      %mul3A_116 = arith.muli %add3A_114, %mul3A_115 : i32
      %dma_wait3A_117 = tpu.memref_slice %arg7[%mul3A_116] : memref<15872xi32, #tpu.memory_space<vmem>> -> memref<128xi32, #tpu.memory_space<vmem>>
      %dma_wait3A_118 = arith.constant 0 : i32
      %dma_wait3A_119 = arith.constant 0 : i32
      %dma_wait3A_120 = tpu.memref_slice %arg2[%dma_wait3A_118, %dma_wait3A_119] : memref<10000x128xf32, #tpu.memory_space<hbm>> -> memref<10000x128xf32, #tpu.memory_space<hbm>>
      tpu.wait_indirect_dma semaphore(%arg14 : memref<!tpu.dma_semaphore, #tpu.memory_space<semaphore_mem>>) src(%dma_wait3A_120 : memref<10000x128xf32, #tpu.memory_space<hbm>>) dst(%arg11 : memref<128x128xf32, #tpu.memory_space<vmem>>)
      %mul3A_121 = arith.constant 128 : i32
      %mul3A_122 = arith.muli %add3A_114, %mul3A_121 : i32
      %add3A_123 = arith.addi %select_n3A_35, %mul3A_122 : i32
      "tpu.region"() ({
        %run_scoped3A = tpu.sem_alloc : memref<!tpu.dma_semaphore, #tpu.memory_space<semaphore_mem>>
        %dma_start3A_130 = tpu.memref_slice %arg5[%add3A_123] : memref<327680xi32, #tpu.memory_space<hbm>> -> memref<128xi32, #tpu.memory_space<hbm>>
        %dma_start3A_131 = tpu.memref_slice %arg5[%add3A_123] : memref<327680xi32, #tpu.memory_space<hbm>> -> memref<128xi32, #tpu.memory_space<hbm>>
        tpu.enqueue_dma source(%dma_start3A_131 : memref<128xi32, #tpu.memory_space<hbm>>) target(%arg9 : memref<128xi32, #tpu.memory_space<vmem>>) target_semaphore(%run_scoped3A : memref<!tpu.dma_semaphore, #tpu.memory_space<semaphore_mem>>)
        %dma_wait3A_132 = tpu.memref_slice %arg5[%add3A_123] : memref<327680xi32, #tpu.memory_space<hbm>> -> memref<128xi32, #tpu.memory_space<hbm>>
        %dma_wait3A_133 = tpu.memref_slice %arg5[%add3A_123] : memref<327680xi32, #tpu.memory_space<hbm>> -> memref<128xi32, #tpu.memory_space<hbm>>
        tpu.wait_dma2 semaphore(%run_scoped3A : memref<!tpu.dma_semaphore, #tpu.memory_space<semaphore_mem>>) src(%dma_wait3A_133 : memref<128xi32, #tpu.memory_space<hbm>>) dst(%arg9 : memref<128xi32, #tpu.memory_space<vmem>>)
        tpu.yield
      }) : () -> ()
      "tpu.region"() ({
        %run_scoped3A = tpu.sem_alloc : memref<!tpu.dma_semaphore, #tpu.memory_space<semaphore_mem>>
        %dma_start3A_130 = arith.constant 0 : i32
        %dma_start3A_131 = arith.constant 0 : i32
        %dma_start3A_132 = tpu.memref_slice %arg12[%dma_start3A_130, %dma_start3A_131] : memref<10240x128xf32, #tpu.memory_space<vmem_shared>> -> memref<10240x128xf32, #tpu.memory_space<vmem_shared>>
        tpu.enqueue_indirect_dma source(%arg11 : memref<128x128xf32, #tpu.memory_space<vmem>>) target(%dma_start3A_132 : memref<10240x128xf32, #tpu.memory_space<vmem_shared>>) offsets(%arg9 : memref<128xi32, #tpu.memory_space<vmem>>) semaphore(%run_scoped3A : memref<!tpu.dma_semaphore, #tpu.memory_space<semaphore_mem>>) {add = true}
        %dma_wait3A_133 = arith.constant 0 : i32
        %dma_wait3A_134 = arith.constant 0 : i32
        %dma_wait3A_135 = tpu.memref_slice %arg12[%dma_wait3A_133, %dma_wait3A_134] : memref<10240x128xf32, #tpu.memory_space<vmem_shared>> -> memref<10240x128xf32, #tpu.memory_space<vmem_shared>>
        tpu.wait_indirect_dma semaphore(%run_scoped3A : memref<!tpu.dma_semaphore, #tpu.memory_space<semaphore_mem>>) src(%arg11 : memref<128x128xf32, #tpu.memory_space<vmem>>) dst(%dma_wait3A_135 : memref<10240x128xf32, #tpu.memory_space<vmem_shared>>)
        tpu.yield
      }) : () -> ()
      %add3A_124 = arith.constant 2 : i32
      %add3A_125 = arith.addi %add3A_114, %add3A_124 : i32
      %lt3A_126 = arith.cmpi slt, %add3A_125, %select_n3A : i32
      %convert_element_type3A_127 = arith.extui %lt3A_126 : i1 to i32
      %cond3A_128 = arith.constant 0 : i32
      %cond3A_129 = arith.cmpi ne, %convert_element_type3A_127, %cond3A_128 : i32
      scf.if %cond3A_129 {
        %add3A_130 = arith.constant 2 : i32
        %add3A_131 = arith.addi %add3A_114, %add3A_130 : i32
        %mul3A_132 = arith.constant 128 : i32
        %mul3A_133 = arith.muli %add3A_131, %mul3A_132 : i32
        %dma_start3A_134 = tpu.memref_slice %arg7[%mul3A_133] : memref<15872xi32, #tpu.memory_space<vmem>> -> memref<128xi32, #tpu.memory_space<vmem>>
        %dma_start3A_135 = arith.constant 0 : i32
        %dma_start3A_136 = arith.constant 0 : i32
        %dma_start3A_137 = tpu.memref_slice %arg2[%dma_start3A_135, %dma_start3A_136] : memref<10000x128xf32, #tpu.memory_space<hbm>> -> memref<10000x128xf32, #tpu.memory_space<hbm>>
        tpu.enqueue_indirect_dma source(%dma_start3A_137 : memref<10000x128xf32, #tpu.memory_space<hbm>>) target(%arg11 : memref<128x128xf32, #tpu.memory_space<vmem>>) offsets(%dma_start3A_134 : memref<128xi32, #tpu.memory_space<vmem>>) semaphore(%arg14 : memref<!tpu.dma_semaphore, #tpu.memory_space<semaphore_mem>>)
      } else {
      }
    }
    %barrier3A_84 = arith.constant 0 : index
    tpu.barrier barrier_id(%barrier3A_84)
    %not3A_85 = arith.constant true
    %not3A_86 = arith.xori %eq3A_0, %not3A_85 : i1
    %convert_element_type3A_87 = arith.extui %not3A_86 : i1 to i32
    %cond3A_88 = arith.constant 0 : i32
    %cond3A_89 = arith.cmpi ne, %convert_element_type3A_87, %cond3A_88 : i32
    scf.if %cond3A_89 {
      "tpu.region"() ({
        %run_scoped3A = tpu.sem_alloc : memref<!tpu.dma_semaphore, #tpu.memory_space<semaphore_mem>>
        %dma_start3A_93 = arith.constant 0 : i32
        %dma_start3A_94 = tpu.memref_slice %arg6[%arg0, %mul3A_1, %dma_start3A_93] : memref<2x10240x128xf32, #tpu.memory_space<hbm>> -> memref<1x640x128xf32, #tpu.memory_space<hbm>>
        %dma_start3A_95 = tpu.memref_squeeze %dma_start3A_94 : memref<1x640x128xf32, #tpu.memory_space<hbm>> -> memref<640x128xf32, #tpu.memory_space<hbm>>
        %dma_start3A_96 = arith.constant 0 : i32
        %dma_start3A_97 = tpu.memref_slice %arg12[%mul3A_1, %dma_start3A_96] : memref<10240x128xf32, #tpu.memory_space<vmem_shared>> -> memref<640x128xf32, #tpu.memory_space<vmem_shared>>
        tpu.enqueue_dma source(%dma_start3A_97 : memref<640x128xf32, #tpu.memory_space<vmem_shared>>) target(%dma_start3A_95 : memref<640x128xf32, #tpu.memory_space<hbm>>) target_semaphore(%run_scoped3A : memref<!tpu.dma_semaphore, #tpu.memory_space<semaphore_mem>>)
        %dma_wait3A = arith.constant 0 : i32
        %dma_wait3A_98 = tpu.memref_slice %arg6[%arg0, %mul3A_1, %dma_wait3A] : memref<2x10240x128xf32, #tpu.memory_space<hbm>> -> memref<1x640x128xf32, #tpu.memory_space<hbm>>
        %dma_wait3A_99 = tpu.memref_squeeze %dma_wait3A_98 : memref<1x640x128xf32, #tpu.memory_space<hbm>> -> memref<640x128xf32, #tpu.memory_space<hbm>>
        %dma_wait3A_100 = arith.constant 0 : i32
        %dma_wait3A_101 = tpu.memref_slice %arg12[%mul3A_1, %dma_wait3A_100] : memref<10240x128xf32, #tpu.memory_space<vmem_shared>> -> memref<640x128xf32, #tpu.memory_space<vmem_shared>>
        tpu.wait_dma2 semaphore(%run_scoped3A : memref<!tpu.dma_semaphore, #tpu.memory_space<semaphore_mem>>) src(%dma_wait3A_101 : memref<640x128xf32, #tpu.memory_space<vmem_shared>>) dst(%dma_wait3A_99 : memref<640x128xf32, #tpu.memory_space<hbm>>)
        tpu.yield
      }) : () -> ()
    } else {
    }
    %convert_element_type3A_90 = arith.extui %eq3A_0 : i1 to i32
    %cond3A_91 = arith.constant 0 : i32
    %cond3A_92 = arith.cmpi ne, %convert_element_type3A_90, %cond3A_91 : i32
    scf.if %cond3A_92 {
      "tpu.region"() ({
        %run_scoped3A = tpu.sem_alloc : memref<!tpu.dma_semaphore, #tpu.memory_space<semaphore_mem>>
        %dma_start3A_93 = arith.constant 0 : i32
        %dma_start3A_94 = tpu.memref_slice %arg6[%arg0, %mul3A_1, %dma_start3A_93] : memref<2x10240x128xf32, #tpu.memory_space<hbm>> -> memref<1x400x128xf32, #tpu.memory_space<hbm>>
        %dma_start3A_95 = tpu.memref_squeeze %dma_start3A_94 : memref<1x400x128xf32, #tpu.memory_space<hbm>> -> memref<400x128xf32, #tpu.memory_space<hbm>>
        %dma_start3A_96 = arith.constant 0 : i32
        %dma_start3A_97 = tpu.memref_slice %arg12[%mul3A_1, %dma_start3A_96] : memref<10240x128xf32, #tpu.memory_space<vmem_shared>> -> memref<400x128xf32, #tpu.memory_space<vmem_shared>>
        tpu.enqueue_dma source(%dma_start3A_97 : memref<400x128xf32, #tpu.memory_space<vmem_shared>>) target(%dma_start3A_95 : memref<400x128xf32, #tpu.memory_space<hbm>>) target_semaphore(%run_scoped3A : memref<!tpu.dma_semaphore, #tpu.memory_space<semaphore_mem>>)
        %dma_wait3A = arith.constant 0 : i32
        %dma_wait3A_98 = tpu.memref_slice %arg6[%arg0, %mul3A_1, %dma_wait3A] : memref<2x10240x128xf32, #tpu.memory_space<hbm>> -> memref<1x400x128xf32, #tpu.memory_space<hbm>>
        %dma_wait3A_99 = tpu.memref_squeeze %dma_wait3A_98 : memref<1x400x128xf32, #tpu.memory_space<hbm>> -> memref<400x128xf32, #tpu.memory_space<hbm>>
        %dma_wait3A_100 = arith.constant 0 : i32
        %dma_wait3A_101 = tpu.memref_slice %arg12[%mul3A_1, %dma_wait3A_100] : memref<10240x128xf32, #tpu.memory_space<vmem_shared>> -> memref<400x128xf32, #tpu.memory_space<vmem_shared>>
        tpu.wait_dma2 semaphore(%run_scoped3A : memref<!tpu.dma_semaphore, #tpu.memory_space<semaphore_mem>>) src(%dma_wait3A_101 : memref<400x128xf32, #tpu.memory_space<vmem_shared>>) dst(%dma_wait3A_99 : memref<400x128xf32, #tpu.memory_space<hbm>>)
        tpu.yield
      }) : () -> ()
    } else {
    }
    return
  }
}

#map = affine_map<(d0, d1) -> (0, 0)>
#map1 = affine_map<(d0, d1) -> (0)>
#map2 = affine_map<(d0, d1) -> (0, 0, 0)>
module attributes {stable_mosaic.version = 14 : i64} {
  func.func @_segment_sum(%arg0: i32, %arg1: i32, %arg2: memref<10000x128xf32, #tpu.memory_space<hbm>>, %arg3: memref<10000x128xf32, #tpu.memory_space<hbm>>, %arg4: memref<327680xi32, #tpu.memory_space<hbm>>, %arg5: memref<327680xi32, #tpu.memory_space<hbm>>, %arg6: memref<2x10240x128xf32, #tpu.memory_space<hbm>>, %arg7: memref<15872xi32, #tpu.memory_space<vmem>>, %arg8: memref<128xi32, #tpu.memory_space<vmem>>, %arg9: memref<128xi32, #tpu.memory_space<vmem>>, %arg10: memref<128x128xf32, #tpu.memory_space<vmem>>, %arg11: memref<128x128xf32, #tpu.memory_space<vmem>>, %arg12: memref<10240x128xf32, #tpu.memory_space<vmem_shared>>, %arg13: memref<!tpu.dma_semaphore, #tpu.memory_space<semaphore_mem>>, %arg14: memref<!tpu.dma_semaphore, #tpu.memory_space<semaphore_mem>>) attributes {dimension_semantics = [#tpu.dimension_semantics<core_parallel>, #tpu.dimension_semantics<subcore_parallel>], iteration_bounds = array<i64: 2, 16>, scalar_prefetch = 0 : i64, scratch_operands = 8 : i64, tpu.core_type = #tpu.core_type<sc_vector_subcore>, window_params = [{transform_indices = #map}, {transform_indices = #map}, {transform_indices = #map1}, {transform_indices = #map1}, {transform_indices = #map2}]} {
    %eq3A = arith.constant 15 : i32
    %eq3A_0 = arith.cmpi eq, %arg1, %eq3A : i32
    %mul3A = arith.constant 640 : i32
    %mul3A_1 = arith.muli %arg1, %mul3A : i32
    %eq3A_2 = arith.constant 0 : i32
    %eq3A_3 = arith.cmpi eq, %arg0, %eq3A_2 : i32
    %not3A = arith.constant true
    %not3A_4 = arith.xori %eq3A_0, %not3A : i1
    %and3A = arith.andi %eq3A_3, %not3A_4 : i1
    %convert_element_type3A = arith.extui %and3A : i1 to i32
    %cond3A = arith.constant 0 : i32
    %cond3A_5 = arith.cmpi ne, %convert_element_type3A, %cond3A : i32
    scf.if %cond3A_5 {
      "tpu.region"() ({
        %run_scoped3A = tpu.sem_alloc : memref<!tpu.dma_semaphore, #tpu.memory_space<semaphore_mem>>
        %dma_start3A_93 = arith.constant 0 : i32
        %dma_start3A_94 = tpu.memref_slice %arg12[%mul3A_1, %dma_start3A_93] : memref<10240x128xf32, #tpu.memory_space<vmem_shared>> -> memref<640x128xf32, #tpu.memory_space<vmem_shared>>
        %dma_start3A_95 = arith.constant 0 : i32
        %dma_start3A_96 = tpu.memref_slice %arg2[%mul3A_1, %dma_start3A_95] : memref<10000x128xf32, #tpu.memory_space<hbm>> -> memref<640x128xf32, #tpu.memory_space<hbm>>
        tpu.enqueue_dma source(%dma_start3A_96 : memref<640x128xf32, #tpu.memory_space<hbm>>) target(%dma_start3A_94 : memref<640x128xf32, #tpu.memory_space<vmem_shared>>) target_semaphore(%run_scoped3A : memref<!tpu.dma_semaphore, #tpu.memory_space<semaphore_mem>>)
        %dma_wait3A = arith.constant 0 : i32
        %dma_wait3A_97 = tpu.memref_slice %arg12[%mul3A_1, %dma_wait3A] : memref<10240x128xf32, #tpu.memory_space<vmem_shared>> -> memref<640x128xf32, #tpu.memory_space<vmem_shared>>
        %dma_wait3A_98 = arith.constant 0 : i32
        %dma_wait3A_99 = tpu.memref_slice %arg2[%mul3A_1, %dma_wait3A_98] : memref<10000x128xf32, #tpu.memory_space<hbm>> -> memref<640x128xf32, #tpu.memory_space<hbm>>
        tpu.wait_dma2 semaphore(%run_scoped3A : memref<!tpu.dma_semaphore, #tpu.memory_space<semaphore_mem>>) src(%dma_wait3A_99 : memref<640x128xf32, #tpu.memory_space<hbm>>) dst(%dma_wait3A_97 : memref<640x128xf32, #tpu.memory_space<vmem_shared>>)
        tpu.yield
      }) : () -> ()
    } else {
    }
    %eq3A_6 = arith.constant 0 : i32
    %eq3A_7 = arith.cmpi eq, %arg0, %eq3A_6 : i32
    %and3A_8 = arith.andi %eq3A_7, %eq3A_0 : i1
    %convert_element_type3A_9 = arith.extui %and3A_8 : i1 to i32
    %cond3A_10 = arith.constant 0 : i32
    %cond3A_11 = arith.cmpi ne, %convert_element_type3A_9, %cond3A_10 : i32
    scf.if %cond3A_11 {
      "tpu.region"() ({
        %run_scoped3A = tpu.sem_alloc : memref<!tpu.dma_semaphore, #tpu.memory_space<semaphore_mem>>
        %dma_start3A_93 = arith.constant 0 : i32
        %dma_start3A_94 = tpu.memref_slice %arg12[%mul3A_1, %dma_start3A_93] : memref<10240x128xf32, #tpu.memory_space<vmem_shared>> -> memref<400x128xf32, #tpu.memory_space<vmem_shared>>
        %dma_start3A_95 = arith.constant 0 : i32
        %dma_start3A_96 = tpu.memref_slice %arg2[%mul3A_1, %dma_start3A_95] : memref<10000x128xf32, #tpu.memory_space<hbm>> -> memref<400x128xf32, #tpu.memory_space<hbm>>
        tpu.enqueue_dma source(%dma_start3A_96 : memref<400x128xf32, #tpu.memory_space<hbm>>) target(%dma_start3A_94 : memref<400x128xf32, #tpu.memory_space<vmem_shared>>) target_semaphore(%run_scoped3A : memref<!tpu.dma_semaphore, #tpu.memory_space<semaphore_mem>>)
        %dma_wait3A = arith.constant 0 : i32
        %dma_wait3A_97 = tpu.memref_slice %arg12[%mul3A_1, %dma_wait3A] : memref<10240x128xf32, #tpu.memory_space<vmem_shared>> -> memref<400x128xf32, #tpu.memory_space<vmem_shared>>
        %dma_wait3A_98 = arith.constant 0 : i32
        %dma_wait3A_99 = tpu.memref_slice %arg2[%mul3A_1, %dma_wait3A_98] : memref<10000x128xf32, #tpu.memory_space<hbm>> -> memref<400x128xf32, #tpu.memory_space<hbm>>
        tpu.wait_dma2 semaphore(%run_scoped3A : memref<!tpu.dma_semaphore, #tpu.memory_space<semaphore_mem>>) src(%dma_wait3A_99 : memref<400x128xf32, #tpu.memory_space<hbm>>) dst(%dma_wait3A_97 : memref<400x128xf32, #tpu.memory_space<vmem_shared>>)
        tpu.yield
      }) : () -> ()
    } else {
    }
    %ne3A = arith.constant 0 : i32
    %ne3A_12 = arith.cmpi ne, %arg0, %ne3A : i32
    %not3A_13 = arith.constant true
    %not3A_14 = arith.xori %eq3A_0, %not3A_13 : i1
    %and3A_15 = arith.andi %ne3A_12, %not3A_14 : i1
    %convert_element_type3A_16 = arith.extui %and3A_15 : i1 to i32
    %cond3A_17 = arith.constant 0 : i32
    %cond3A_18 = arith.cmpi ne, %convert_element_type3A_16, %cond3A_17 : i32
    scf.if %cond3A_18 {
      "tpu.region"() ({
        %run_scoped3A = tpu.sem_alloc : memref<!tpu.dma_semaphore, #tpu.memory_space<semaphore_mem>>
        %dma_start3A_93 = arith.constant 0 : i32
        %dma_start3A_94 = tpu.memref_slice %arg12[%mul3A_1, %dma_start3A_93] : memref<10240x128xf32, #tpu.memory_space<vmem_shared>> -> memref<640x128xf32, #tpu.memory_space<vmem_shared>>
        %dma_start3A_95 = arith.constant 0 : i32
        %dma_start3A_96 = tpu.memref_slice %arg3[%mul3A_1, %dma_start3A_95] : memref<10000x128xf32, #tpu.memory_space<hbm>> -> memref<640x128xf32, #tpu.memory_space<hbm>>
        tpu.enqueue_dma source(%dma_start3A_96 : memref<640x128xf32, #tpu.memory_space<hbm>>) target(%dma_start3A_94 : memref<640x128xf32, #tpu.memory_space<vmem_shared>>) target_semaphore(%run_scoped3A : memref<!tpu.dma_semaphore, #tpu.memory_space<semaphore_mem>>)
        %dma_wait3A = arith.constant 0 : i32
        %dma_wait3A_97 = tpu.memref_slice %arg12[%mul3A_1, %dma_wait3A] : memref<10240x128xf32, #tpu.memory_space<vmem_shared>> -> memref<640x128xf32, #tpu.memory_space<vmem_shared>>
        %dma_wait3A_98 = arith.constant 0 : i32
        %dma_wait3A_99 = tpu.memref_slice %arg3[%mul3A_1, %dma_wait3A_98] : memref<10000x128xf32, #tpu.memory_space<hbm>> -> memref<640x128xf32, #tpu.memory_space<hbm>>
        tpu.wait_dma2 semaphore(%run_scoped3A : memref<!tpu.dma_semaphore, #tpu.memory_space<semaphore_mem>>) src(%dma_wait3A_99 : memref<640x128xf32, #tpu.memory_space<hbm>>) dst(%dma_wait3A_97 : memref<640x128xf32, #tpu.memory_space<vmem_shared>>)
        tpu.yield
      }) : () -> ()
    } else {
    }
    %ne3A_19 = arith.constant 0 : i32
    %ne3A_20 = arith.cmpi ne, %arg0, %ne3A_19 : i32
    %and3A_21 = arith.andi %ne3A_20, %eq3A_0 : i1
    %convert_element_type3A_22 = arith.extui %and3A_21 : i1 to i32
    %cond3A_23 = arith.constant 0 : i32
    %cond3A_24 = arith.cmpi ne, %convert_element_type3A_22, %cond3A_23 : i32
    scf.if %cond3A_24 {
      "tpu.region"() ({
        %run_scoped3A = tpu.sem_alloc : memref<!tpu.dma_semaphore, #tpu.memory_space<semaphore_mem>>
        %dma_start3A_93 = arith.constant 0 : i32
        %dma_start3A_94 = tpu.memref_slice %arg12[%mul3A_1, %dma_start3A_93] : memref<10240x128xf32, #tpu.memory_space<vmem_shared>> -> memref<400x128xf32, #tpu.memory_space<vmem_shared>>
        %dma_start3A_95 = arith.constant 0 : i32
        %dma_start3A_96 = tpu.memref_slice %arg3[%mul3A_1, %dma_start3A_95] : memref<10000x128xf32, #tpu.memory_space<hbm>> -> memref<400x128xf32, #tpu.memory_space<hbm>>
        tpu.enqueue_dma source(%dma_start3A_96 : memref<400x128xf32, #tpu.memory_space<hbm>>) target(%dma_start3A_94 : memref<400x128xf32, #tpu.memory_space<vmem_shared>>) target_semaphore(%run_scoped3A : memref<!tpu.dma_semaphore, #tpu.memory_space<semaphore_mem>>)
        %dma_wait3A = arith.constant 0 : i32
        %dma_wait3A_97 = tpu.memref_slice %arg12[%mul3A_1, %dma_wait3A] : memref<10240x128xf32, #tpu.memory_space<vmem_shared>> -> memref<400x128xf32, #tpu.memory_space<vmem_shared>>
        %dma_wait3A_98 = arith.constant 0 : i32
        %dma_wait3A_99 = tpu.memref_slice %arg3[%mul3A_1, %dma_wait3A_98] : memref<10000x128xf32, #tpu.memory_space<hbm>> -> memref<400x128xf32, #tpu.memory_space<hbm>>
        tpu.wait_dma2 semaphore(%run_scoped3A : memref<!tpu.dma_semaphore, #tpu.memory_space<semaphore_mem>>) src(%dma_wait3A_99 : memref<400x128xf32, #tpu.memory_space<hbm>>) dst(%dma_wait3A_97 : memref<400x128xf32, #tpu.memory_space<vmem_shared>>)
        tpu.yield
      }) : () -> ()
    } else {
    }
    %barrier3A = arith.constant 0 : index
    tpu.barrier barrier_id(%barrier3A)
    %eq3A_25 = arith.constant 0 : i32
    %eq3A_26 = arith.cmpi eq, %arg0, %eq3A_25 : i32
    %jit3A = arith.constant 124 : i32
    %jit3A_27 = arith.constant 36 : i32
    %select_n3A = arith.select %eq3A_26, %jit3A, %jit3A_27 : i32
    %eq3A_28 = arith.constant 0 : i32
    %eq3A_29 = arith.cmpi eq, %arg0, %eq3A_28 : i32
    %mul3A_30 = arith.constant 15872 : i32
    %mul3A_31 = arith.muli %arg1, %mul3A_30 : i32
    %mul3A_32 = arith.constant 4608 : i32
    %mul3A_33 = arith.muli %arg1, %mul3A_32 : i32
    %add3A = arith.constant 253952 : i32
    %add3A_34 = arith.addi %add3A, %mul3A_33 : i32
    %select_n3A_35 = arith.select %eq3A_29, %mul3A_31, %add3A_34 : i32
    %eq3A_36 = arith.constant 0 : i32
    %eq3A_37 = arith.cmpi eq, %arg0, %eq3A_36 : i32
    %convert_element_type3A_38 = arith.extui %eq3A_37 : i1 to i32
    %cond3A_39 = arith.constant 0 : i32
    %cond3A_40 = arith.cmpi ne, %convert_element_type3A_38, %cond3A_39 : i32
    scf.if %cond3A_40 {
      "tpu.region"() ({
        %run_scoped3A = tpu.sem_alloc : memref<!tpu.dma_semaphore, #tpu.memory_space<semaphore_mem>>
        %dma_start3A_93 = arith.constant 0 : i32
        %dma_start3A_94 = tpu.memref_slice %arg7[%dma_start3A_93] : memref<15872xi32, #tpu.memory_space<vmem>> -> memref<15872xi32, #tpu.memory_space<vmem>>
        %dma_start3A_95 = tpu.memref_slice %arg4[%select_n3A_35] : memref<327680xi32, #tpu.memory_space<hbm>> -> memref<15872xi32, #tpu.memory_space<hbm>>
        %dma_start3A_96 = arith.constant 0 : i32
        %dma_start3A_97 = tpu.memref_slice %arg7[%dma_start3A_96] : memref<15872xi32, #tpu.memory_space<vmem>> -> memref<15872xi32, #tpu.memory_space<vmem>>
        %dma_start3A_98 = tpu.memref_slice %arg4[%select_n3A_35] : memref<327680xi32, #tpu.memory_space<hbm>> -> memref<15872xi32, #tpu.memory_space<hbm>>
        tpu.enqueue_dma source(%dma_start3A_98 : memref<15872xi32, #tpu.memory_space<hbm>>) target(%dma_start3A_97 : memref<15872xi32, #tpu.memory_space<vmem>>) target_semaphore(%run_scoped3A : memref<!tpu.dma_semaphore, #tpu.memory_space<semaphore_mem>>)
        %dma_wait3A = arith.constant 0 : i32
        %dma_wait3A_99 = tpu.memref_slice %arg7[%dma_wait3A] : memref<15872xi32, #tpu.memory_space<vmem>> -> memref<15872xi32, #tpu.memory_space<vmem>>
        %dma_wait3A_100 = tpu.memref_slice %arg4[%select_n3A_35] : memref<327680xi32, #tpu.memory_space<hbm>> -> memref<15872xi32, #tpu.memory_space<hbm>>
        %dma_wait3A_101 = arith.constant 0 : i32
        %dma_wait3A_102 = tpu.memref_slice %arg7[%dma_wait3A_101] : memref<15872xi32, #tpu.memory_space<vmem>> -> memref<15872xi32, #tpu.memory_space<vmem>>
        %dma_wait3A_103 = tpu.memref_slice %arg4[%select_n3A_35] : memref<327680xi32, #tpu.memory_space<hbm>> -> memref<15872xi32, #tpu.memory_space<hbm>>
        tpu.wait_dma2 semaphore(%run_scoped3A : memref<!tpu.dma_semaphore, #tpu.memory_space<semaphore_mem>>) src(%dma_wait3A_103 : memref<15872xi32, #tpu.memory_space<hbm>>) dst(%dma_wait3A_102 : memref<15872xi32, #tpu.memory_space<vmem>>)
        tpu.yield
      }) : () -> ()
    } else {
    }
    %ne3A_41 = arith.constant 0 : i32
    %ne3A_42 = arith.cmpi ne, %arg0, %ne3A_41 : i32
    %convert_element_type3A_43 = arith.extui %ne3A_42 : i1 to i32
    %cond3A_44 = arith.constant 0 : i32
    %cond3A_45 = arith.cmpi ne, %convert_element_type3A_43, %cond3A_44 : i32
    scf.if %cond3A_45 {
      "tpu.region"() ({
        %run_scoped3A = tpu.sem_alloc : memref<!tpu.dma_semaphore, #tpu.memory_space<semaphore_mem>>
        %dma_start3A_93 = arith.constant 0 : i32
        %dma_start3A_94 = tpu.memref_slice %arg7[%dma_start3A_93] : memref<15872xi32, #tpu.memory_space<vmem>> -> memref<4608xi32, #tpu.memory_space<vmem>>
        %dma_start3A_95 = tpu.memref_slice %arg4[%select_n3A_35] : memref<327680xi32, #tpu.memory_space<hbm>> -> memref<4608xi32, #tpu.memory_space<hbm>>
        %dma_start3A_96 = arith.constant 0 : i32
        %dma_start3A_97 = tpu.memref_slice %arg7[%dma_start3A_96] : memref<15872xi32, #tpu.memory_space<vmem>> -> memref<4608xi32, #tpu.memory_space<vmem>>
        %dma_start3A_98 = tpu.memref_slice %arg4[%select_n3A_35] : memref<327680xi32, #tpu.memory_space<hbm>> -> memref<4608xi32, #tpu.memory_space<hbm>>
        tpu.enqueue_dma source(%dma_start3A_98 : memref<4608xi32, #tpu.memory_space<hbm>>) target(%dma_start3A_97 : memref<4608xi32, #tpu.memory_space<vmem>>) target_semaphore(%run_scoped3A : memref<!tpu.dma_semaphore, #tpu.memory_space<semaphore_mem>>)
        %dma_wait3A = arith.constant 0 : i32
        %dma_wait3A_99 = tpu.memref_slice %arg7[%dma_wait3A] : memref<15872xi32, #tpu.memory_space<vmem>> -> memref<4608xi32, #tpu.memory_space<vmem>>
        %dma_wait3A_100 = tpu.memref_slice %arg4[%select_n3A_35] : memref<327680xi32, #tpu.memory_space<hbm>> -> memref<4608xi32, #tpu.memory_space<hbm>>
        %dma_wait3A_101 = arith.constant 0 : i32
        %dma_wait3A_102 = tpu.memref_slice %arg7[%dma_wait3A_101] : memref<15872xi32, #tpu.memory_space<vmem>> -> memref<4608xi32, #tpu.memory_space<vmem>>
        %dma_wait3A_103 = tpu.memref_slice %arg4[%select_n3A_35] : memref<327680xi32, #tpu.memory_space<hbm>> -> memref<4608xi32, #tpu.memory_space<hbm>>
        tpu.wait_dma2 semaphore(%run_scoped3A : memref<!tpu.dma_semaphore, #tpu.memory_space<semaphore_mem>>) src(%dma_wait3A_103 : memref<4608xi32, #tpu.memory_space<hbm>>) dst(%dma_wait3A_102 : memref<4608xi32, #tpu.memory_space<vmem>>)
        tpu.yield
      }) : () -> ()
    } else {
    }
    %dma_start3A = arith.constant 0 : i32
    %dma_start3A_46 = tpu.memref_slice %arg7[%dma_start3A] : memref<15872xi32, #tpu.memory_space<vmem>> -> memref<128xi32, #tpu.memory_space<vmem>>
    %dma_start3A_47 = arith.constant 0 : i32
    %dma_start3A_48 = arith.constant 0 : i32
    %dma_start3A_49 = tpu.memref_slice %arg2[%dma_start3A_47, %dma_start3A_48] : memref<10000x128xf32, #tpu.memory_space<hbm>> -> memref<10000x128xf32, #tpu.memory_space<hbm>>
    tpu.enqueue_indirect_dma source(%dma_start3A_49 : memref<10000x128xf32, #tpu.memory_space<hbm>>) target(%arg10 : memref<128x128xf32, #tpu.memory_space<vmem>>) offsets(%dma_start3A_46 : memref<128xi32, #tpu.memory_space<vmem>>) semaphore(%arg13 : memref<!tpu.dma_semaphore, #tpu.memory_space<semaphore_mem>>)
    %dma_start3A_50 = arith.constant 128 : i32
    %dma_start3A_51 = tpu.memref_slice %arg7[%dma_start3A_50] : memref<15872xi32, #tpu.memory_space<vmem>> -> memref<128xi32, #tpu.memory_space<vmem>>
    %dma_start3A_52 = arith.constant 0 : i32
    %dma_start3A_53 = arith.constant 0 : i32
    %dma_start3A_54 = tpu.memref_slice %arg2[%dma_start3A_52, %dma_start3A_53] : memref<10000x128xf32, #tpu.memory_space<hbm>> -> memref<10000x128xf32, #tpu.memory_space<hbm>>
    tpu.enqueue_indirect_dma source(%dma_start3A_54 : memref<10000x128xf32, #tpu.memory_space<hbm>>) target(%arg11 : memref<128x128xf32, #tpu.memory_space<vmem>>) offsets(%dma_start3A_51 : memref<128xi32, #tpu.memory_space<vmem>>) semaphore(%arg14 : memref<!tpu.dma_semaphore, #tpu.memory_space<semaphore_mem>>)
    %jit3A_55 = arith.constant 2 : i32
    %div3A = arith.divsi %select_n3A, %jit3A_55 : i32
    %sign3A = arith.constant 0 : i32
    %sign3A_56 = arith.cmpi sgt, %select_n3A, %sign3A : i32
    %sign3A_57 = arith.extui %sign3A_56 : i1 to i32
    %sign3A_58 = arith.constant 0 : i32
    %sign3A_59 = arith.cmpi slt, %select_n3A, %sign3A_58 : i32
    %sign3A_60 = arith.extui %sign3A_59 : i1 to i32
    %sign3A_61 = arith.subi %sign3A_57, %sign3A_60 : i32
    %sign3A_62 = arith.constant 0 : i32
    %sign3A_63 = arith.cmpi sgt, %jit3A_55, %sign3A_62 : i32
    %sign3A_64 = arith.extui %sign3A_63 : i1 to i32
    %sign3A_65 = arith.constant 0 : i32
    %sign3A_66 = arith.cmpi slt, %jit3A_55, %sign3A_65 : i32
    %sign3A_67 = arith.extui %sign3A_66 : i1 to i32
    %sign3A_68 = arith.subi %sign3A_64, %sign3A_67 : i32
    %ne3A_69 = arith.cmpi ne, %sign3A_61, %sign3A_68 : i32
    %rem3A = arith.remsi %select_n3A, %jit3A_55 : i32
    %ne3A_70 = arith.constant 0 : i32
    %ne3A_71 = arith.cmpi ne, %rem3A, %ne3A_70 : i32
    %and3A_72 = arith.andi %ne3A_69, %ne3A_71 : i1
    %sub3A = arith.constant 1 : i32
    %sub3A_73 = arith.subi %div3A, %sub3A : i32
    %select_n3A_74 = arith.select %and3A_72, %sub3A_73, %div3A : i32
    %while3A = arith.constant 0 : i32
    %while3A_75 = arith.constant 0 : i32
    %while3A_76 = arith.subi %select_n3A_74, %while3A_75 : i32
    %while3A_77 = arith.addi %while3A_75, %while3A_76 : i32
    %while3A_78 = arith.constant 1 : i32
    %while3A_79 = arith.divsi %while3A_76, %while3A_78 : i32
    %while3A_80 = arith.muli %while3A_79, %while3A_78 : i32
    %while3A_81 = arith.addi %while3A_75, %while3A_80 : i32
    %while3A_82 = arith.constant 1 : i32
    scf.for %while3A_93 = %while3A_75 to %while3A_81 step %while3A_82  : i32 {
      %mul3A_94 = arith.constant 2 : i32
      %mul3A_95 = arith.muli %mul3A_94, %while3A_93 : i32
      %add3A_96 = arith.constant 0 : i32
      %add3A_97 = arith.addi %mul3A_95, %add3A_96 : i32
      %mul3A_98 = arith.constant 128 : i32
      %mul3A_99 = arith.muli %add3A_97, %mul3A_98 : i32
      %dma_wait3A = tpu.memref_slice %arg7[%mul3A_99] : memref<15872xi32, #tpu.memory_space<vmem>> -> memref<128xi32, #tpu.memory_space<vmem>>
      %dma_wait3A_100 = arith.constant 0 : i32
      %dma_wait3A_101 = arith.constant 0 : i32
      %dma_wait3A_102 = tpu.memref_slice %arg2[%dma_wait3A_100, %dma_wait3A_101] : memref<10000x128xf32, #tpu.memory_space<hbm>> -> memref<10000x128xf32, #tpu.memory_space<hbm>>
      tpu.wait_indirect_dma semaphore(%arg13 : memref<!tpu.dma_semaphore, #tpu.memory_space<semaphore_mem>>) src(%dma_wait3A_102 : memref<10000x128xf32, #tpu.memory_space<hbm>>) dst(%arg10 : memref<128x128xf32, #tpu.memory_space<vmem>>)
      %mul3A_103 = arith.constant 128 : i32
      %mul3A_104 = arith.muli %add3A_97, %mul3A_103 : i32
      %add3A_105 = arith.addi %select_n3A_35, %mul3A_104 : i32
      "tpu.region"() ({
        %run_scoped3A = tpu.sem_alloc : memref<!tpu.dma_semaphore, #tpu.memory_space<semaphore_mem>>
        %dma_start3A_130 = tpu.memref_slice %arg5[%add3A_105] : memref<327680xi32, #tpu.memory_space<hbm>> -> memref<128xi32, #tpu.memory_space<hbm>>
        %dma_start3A_131 = tpu.memref_slice %arg5[%add3A_105] : memref<327680xi32, #tpu.memory_space<hbm>> -> memref<128xi32, #tpu.memory_space<hbm>>
        tpu.enqueue_dma source(%dma_start3A_131 : memref<128xi32, #tpu.memory_space<hbm>>) target(%arg8 : memref<128xi32, #tpu.memory_space<vmem>>) target_semaphore(%run_scoped3A : memref<!tpu.dma_semaphore, #tpu.memory_space<semaphore_mem>>)
        %dma_wait3A_132 = tpu.memref_slice %arg5[%add3A_105] : memref<327680xi32, #tpu.memory_space<hbm>> -> memref<128xi32, #tpu.memory_space<hbm>>
        %dma_wait3A_133 = tpu.memref_slice %arg5[%add3A_105] : memref<327680xi32, #tpu.memory_space<hbm>> -> memref<128xi32, #tpu.memory_space<hbm>>
        tpu.wait_dma2 semaphore(%run_scoped3A : memref<!tpu.dma_semaphore, #tpu.memory_space<semaphore_mem>>) src(%dma_wait3A_133 : memref<128xi32, #tpu.memory_space<hbm>>) dst(%arg8 : memref<128xi32, #tpu.memory_space<vmem>>)
        tpu.yield
      }) : () -> ()
      "tpu.region"() ({
        %run_scoped3A = tpu.sem_alloc : memref<!tpu.dma_semaphore, #tpu.memory_space<semaphore_mem>>
        %dma_start3A_130 = arith.constant 0 : i32
        %dma_start3A_131 = arith.constant 0 : i32
        %dma_start3A_132 = tpu.memref_slice %arg12[%dma_start3A_130, %dma_start3A_131] : memref<10240x128xf32, #tpu.memory_space<vmem_shared>> -> memref<10240x128xf32, #tpu.memory_space<vmem_shared>>
        tpu.enqueue_indirect_dma source(%arg10 : memref<128x128xf32, #tpu.memory_space<vmem>>) target(%dma_start3A_132 : memref<10240x128xf32, #tpu.memory_space<vmem_shared>>) offsets(%arg8 : memref<128xi32, #tpu.memory_space<vmem>>) semaphore(%run_scoped3A : memref<!tpu.dma_semaphore, #tpu.memory_space<semaphore_mem>>) {add = true}
        %dma_wait3A_133 = arith.constant 0 : i32
        %dma_wait3A_134 = arith.constant 0 : i32
        %dma_wait3A_135 = tpu.memref_slice %arg12[%dma_wait3A_133, %dma_wait3A_134] : memref<10240x128xf32, #tpu.memory_space<vmem_shared>> -> memref<10240x128xf32, #tpu.memory_space<vmem_shared>>
        tpu.wait_indirect_dma semaphore(%run_scoped3A : memref<!tpu.dma_semaphore, #tpu.memory_space<semaphore_mem>>) src(%arg10 : memref<128x128xf32, #tpu.memory_space<vmem>>) dst(%dma_wait3A_135 : memref<10240x128xf32, #tpu.memory_space<vmem_shared>>)
        tpu.yield
      }) : () -> ()
      %add3A_106 = arith.constant 2 : i32
      %add3A_107 = arith.addi %add3A_97, %add3A_106 : i32
      %lt3A = arith.cmpi slt, %add3A_107, %select_n3A : i32
      %convert_element_type3A_108 = arith.extui %lt3A : i1 to i32
      %cond3A_109 = arith.constant 0 : i32
      %cond3A_110 = arith.cmpi ne, %convert_element_type3A_108, %cond3A_109 : i32
      scf.if %cond3A_110 {
        %add3A_130 = arith.constant 2 : i32
        %add3A_131 = arith.addi %add3A_97, %add3A_130 : i32
        %mul3A_132 = arith.constant 128 : i32
        %mul3A_133 = arith.muli %add3A_131, %mul3A_132 : i32
        %dma_start3A_134 = tpu.memref_slice %arg7[%mul3A_133] : memref<15872xi32, #tpu.memory_space<vmem>> -> memref<128xi32, #tpu.memory_space<vmem>>
        %dma_start3A_135 = arith.constant 0 : i32
        %dma_start3A_136 = arith.constant 0 : i32
        %dma_start3A_137 = tpu.memref_slice %arg2[%dma_start3A_135, %dma_start3A_136] : memref<10000x128xf32, #tpu.memory_space<hbm>> -> memref<10000x128xf32, #tpu.memory_space<hbm>>
        tpu.enqueue_indirect_dma source(%dma_start3A_137 : memref<10000x128xf32, #tpu.memory_space<hbm>>) target(%arg10 : memref<128x128xf32, #tpu.memory_space<vmem>>) offsets(%dma_start3A_134 : memref<128xi32, #tpu.memory_space<vmem>>) semaphore(%arg13 : memref<!tpu.dma_semaphore, #tpu.memory_space<semaphore_mem>>)
      } else {
      }
      %mul3A_111 = arith.constant 2 : i32
      %mul3A_112 = arith.muli %mul3A_111, %while3A_93 : i32
      %add3A_113 = arith.constant 1 : i32
      %add3A_114 = arith.addi %mul3A_112, %add3A_113 : i32
      %mul3A_115 = arith.constant 128 : i32
      %mul3A_116 = arith.muli %add3A_114, %mul3A_115 : i32
      %dma_wait3A_117 = tpu.memref_slice %arg7[%mul3A_116] : memref<15872xi32, #tpu.memory_space<vmem>> -> memref<128xi32, #tpu.memory_space<vmem>>
      %dma_wait3A_118 = arith.constant 0 : i32
      %dma_wait3A_119 = arith.constant 0 : i32
      %dma_wait3A_120 = tpu.memref_slice %arg2[%dma_wait3A_118, %dma_wait3A_119] : memref<10000x128xf32, #tpu.memory_space<hbm>> -> memref<10000x128xf32, #tpu.memory_space<hbm>>
      tpu.wait_indirect_dma semaphore(%arg14 : memref<!tpu.dma_semaphore, #tpu.memory_space<semaphore_mem>>) src(%dma_wait3A_120 : memref<10000x128xf32, #tpu.memory_space<hbm>>) dst(%arg11 : memref<128x128xf32, #tpu.memory_space<vmem>>)
      %mul3A_121 = arith.constant 128 : i32
      %mul3A_122 = arith.muli %add3A_114, %mul3A_121 : i32
      %add3A_123 = arith.addi %select_n3A_35, %mul3A_122 : i32
      "tpu.region"() ({
        %run_scoped3A = tpu.sem_alloc : memref<!tpu.dma_semaphore, #tpu.memory_space<semaphore_mem>>
        %dma_start3A_130 = tpu.memref_slice %arg5[%add3A_123] : memref<327680xi32, #tpu.memory_space<hbm>> -> memref<128xi32, #tpu.memory_space<hbm>>
        %dma_start3A_131 = tpu.memref_slice %arg5[%add3A_123] : memref<327680xi32, #tpu.memory_space<hbm>> -> memref<128xi32, #tpu.memory_space<hbm>>
        tpu.enqueue_dma source(%dma_start3A_131 : memref<128xi32, #tpu.memory_space<hbm>>) target(%arg9 : memref<128xi32, #tpu.memory_space<vmem>>) target_semaphore(%run_scoped3A : memref<!tpu.dma_semaphore, #tpu.memory_space<semaphore_mem>>)
        %dma_wait3A_132 = tpu.memref_slice %arg5[%add3A_123] : memref<327680xi32, #tpu.memory_space<hbm>> -> memref<128xi32, #tpu.memory_space<hbm>>
        %dma_wait3A_133 = tpu.memref_slice %arg5[%add3A_123] : memref<327680xi32, #tpu.memory_space<hbm>> -> memref<128xi32, #tpu.memory_space<hbm>>
        tpu.wait_dma2 semaphore(%run_scoped3A : memref<!tpu.dma_semaphore, #tpu.memory_space<semaphore_mem>>) src(%dma_wait3A_133 : memref<128xi32, #tpu.memory_space<hbm>>) dst(%arg9 : memref<128xi32, #tpu.memory_space<vmem>>)
        tpu.yield
      }) : () -> ()
      "tpu.region"() ({
        %run_scoped3A = tpu.sem_alloc : memref<!tpu.dma_semaphore, #tpu.memory_space<semaphore_mem>>
        %dma_start3A_130 = arith.constant 0 : i32
        %dma_start3A_131 = arith.constant 0 : i32
        %dma_start3A_132 = tpu.memref_slice %arg12[%dma_start3A_130, %dma_start3A_131] : memref<10240x128xf32, #tpu.memory_space<vmem_shared>> -> memref<10240x128xf32, #tpu.memory_space<vmem_shared>>
        tpu.enqueue_indirect_dma source(%arg11 : memref<128x128xf32, #tpu.memory_space<vmem>>) target(%dma_start3A_132 : memref<10240x128xf32, #tpu.memory_space<vmem_shared>>) offsets(%arg9 : memref<128xi32, #tpu.memory_space<vmem>>) semaphore(%run_scoped3A : memref<!tpu.dma_semaphore, #tpu.memory_space<semaphore_mem>>) {add = true}
        %dma_wait3A_133 = arith.constant 0 : i32
        %dma_wait3A_134 = arith.constant 0 : i32
        %dma_wait3A_135 = tpu.memref_slice %arg12[%dma_wait3A_133, %dma_wait3A_134] : memref<10240x128xf32, #tpu.memory_space<vmem_shared>> -> memref<10240x128xf32, #tpu.memory_space<vmem_shared>>
        tpu.wait_indirect_dma semaphore(%run_scoped3A : memref<!tpu.dma_semaphore, #tpu.memory_space<semaphore_mem>>) src(%arg11 : memref<128x128xf32, #tpu.memory_space<vmem>>) dst(%dma_wait3A_135 : memref<10240x128xf32, #tpu.memory_space<vmem_shared>>)
        tpu.yield
      }) : () -> ()
      %add3A_124 = arith.constant 2 : i32
      %add3A_125 = arith.addi %add3A_114, %add3A_124 : i32
      %lt3A_126 = arith.cmpi slt, %add3A_125, %select_n3A : i32
      %convert_element_type3A_127 = arith.extui %lt3A_126 : i1 to i32
      %cond3A_128 = arith.constant 0 : i32
      %cond3A_129 = arith.cmpi ne, %convert_element_type3A_127, %cond3A_128 : i32
      scf.if %cond3A_129 {
        %add3A_130 = arith.constant 2 : i32
        %add3A_131 = arith.addi %add3A_114, %add3A_130 : i32
        %mul3A_132 = arith.constant 128 : i32
        %mul3A_133 = arith.muli %add3A_131, %mul3A_132 : i32
        %dma_start3A_134 = tpu.memref_slice %arg7[%mul3A_133] : memref<15872xi32, #tpu.memory_space<vmem>> -> memref<128xi32, #tpu.memory_space<vmem>>
        %dma_start3A_135 = arith.constant 0 : i32
        %dma_start3A_136 = arith.constant 0 : i32
        %dma_start3A_137 = tpu.memref_slice %arg2[%dma_start3A_135, %dma_start3A_136] : memref<10000x128xf32, #tpu.memory_space<hbm>> -> memref<10000x128xf32, #tpu.memory_space<hbm>>
        tpu.enqueue_indirect_dma source(%dma_start3A_137 : memref<10000x128xf32, #tpu.memory_space<hbm>>) target(%arg11 : memref<128x128xf32, #tpu.memory_space<vmem>>) offsets(%dma_start3A_134 : memref<128xi32, #tpu.memory_space<vmem>>) semaphore(%arg14 : memref<!tpu.dma_semaphore, #tpu.memory_space<semaphore_mem>>)
      } else {
      }
    }
    %while3A_83 = arith.constant 1 : i32
    scf.for %while3A_93 = %while3A_81 to %while3A_77 step %while3A_83  : i32 {
      %mul3A_94 = arith.constant 2 : i32
      %mul3A_95 = arith.muli %mul3A_94, %while3A_93 : i32
      %add3A_96 = arith.constant 0 : i32
      %add3A_97 = arith.addi %mul3A_95, %add3A_96 : i32
      %mul3A_98 = arith.constant 128 : i32
      %mul3A_99 = arith.muli %add3A_97, %mul3A_98 : i32
      %dma_wait3A = tpu.memref_slice %arg7[%mul3A_99] : memref<15872xi32, #tpu.memory_space<vmem>> -> memref<128xi32, #tpu.memory_space<vmem>>
      %dma_wait3A_100 = arith.constant 0 : i32
      %dma_wait3A_101 = arith.constant 0 : i32
      %dma_wait3A_102 = tpu.memref_slice %arg2[%dma_wait3A_100, %dma_wait3A_101] : memref<10000x128xf32, #tpu.memory_space<hbm>> -> memref<10000x128xf32, #tpu.memory_space<hbm>>
      tpu.wait_indirect_dma semaphore(%arg13 : memref<!tpu.dma_semaphore, #tpu.memory_space<semaphore_mem>>) src(%dma_wait3A_102 : memref<10000x128xf32, #tpu.memory_space<hbm>>) dst(%arg10 : memref<128x128xf32, #tpu.memory_space<vmem>>)
      %mul3A_103 = arith.constant 128 : i32
      %mul3A_104 = arith.muli %add3A_97, %mul3A_103 : i32
      %add3A_105 = arith.addi %select_n3A_35, %mul3A_104 : i32
      "tpu.region"() ({
        %run_scoped3A = tpu.sem_alloc : memref<!tpu.dma_semaphore, #tpu.memory_space<semaphore_mem>>
        %dma_start3A_130 = tpu.memref_slice %arg5[%add3A_105] : memref<327680xi32, #tpu.memory_space<hbm>> -> memref<128xi32, #tpu.memory_space<hbm>>
        %dma_start3A_131 = tpu.memref_slice %arg5[%add3A_105] : memref<327680xi32, #tpu.memory_space<hbm>> -> memref<128xi32, #tpu.memory_space<hbm>>
        tpu.enqueue_dma source(%dma_start3A_131 : memref<128xi32, #tpu.memory_space<hbm>>) target(%arg8 : memref<128xi32, #tpu.memory_space<vmem>>) target_semaphore(%run_scoped3A : memref<!tpu.dma_semaphore, #tpu.memory_space<semaphore_mem>>)
        %dma_wait3A_132 = tpu.memref_slice %arg5[%add3A_105] : memref<327680xi32, #tpu.memory_space<hbm>> -> memref<128xi32, #tpu.memory_space<hbm>>
        %dma_wait3A_133 = tpu.memref_slice %arg5[%add3A_105] : memref<327680xi32, #tpu.memory_space<hbm>> -> memref<128xi32, #tpu.memory_space<hbm>>
        tpu.wait_dma2 semaphore(%run_scoped3A : memref<!tpu.dma_semaphore, #tpu.memory_space<semaphore_mem>>) src(%dma_wait3A_133 : memref<128xi32, #tpu.memory_space<hbm>>) dst(%arg8 : memref<128xi32, #tpu.memory_space<vmem>>)
        tpu.yield
      }) : () -> ()
      "tpu.region"() ({
        %run_scoped3A = tpu.sem_alloc : memref<!tpu.dma_semaphore, #tpu.memory_space<semaphore_mem>>
        %dma_start3A_130 = arith.constant 0 : i32
        %dma_start3A_131 = arith.constant 0 : i32
        %dma_start3A_132 = tpu.memref_slice %arg12[%dma_start3A_130, %dma_start3A_131] : memref<10240x128xf32, #tpu.memory_space<vmem_shared>> -> memref<10240x128xf32, #tpu.memory_space<vmem_shared>>
        tpu.enqueue_indirect_dma source(%arg10 : memref<128x128xf32, #tpu.memory_space<vmem>>) target(%dma_start3A_132 : memref<10240x128xf32, #tpu.memory_space<vmem_shared>>) offsets(%arg8 : memref<128xi32, #tpu.memory_space<vmem>>) semaphore(%run_scoped3A : memref<!tpu.dma_semaphore, #tpu.memory_space<semaphore_mem>>) {add = true}
        %dma_wait3A_133 = arith.constant 0 : i32
        %dma_wait3A_134 = arith.constant 0 : i32
        %dma_wait3A_135 = tpu.memref_slice %arg12[%dma_wait3A_133, %dma_wait3A_134] : memref<10240x128xf32, #tpu.memory_space<vmem_shared>> -> memref<10240x128xf32, #tpu.memory_space<vmem_shared>>
        tpu.wait_indirect_dma semaphore(%run_scoped3A : memref<!tpu.dma_semaphore, #tpu.memory_space<semaphore_mem>>) src(%arg10 : memref<128x128xf32, #tpu.memory_space<vmem>>) dst(%dma_wait3A_135 : memref<10240x128xf32, #tpu.memory_space<vmem_shared>>)
        tpu.yield
      }) : () -> ()
      %add3A_106 = arith.constant 2 : i32
      %add3A_107 = arith.addi %add3A_97, %add3A_106 : i32
      %lt3A = arith.cmpi slt, %add3A_107, %select_n3A : i32
      %convert_element_type3A_108 = arith.extui %lt3A : i1 to i32
      %cond3A_109 = arith.constant 0 : i32
      %cond3A_110 = arith.cmpi ne, %convert_element_type3A_108, %cond3A_109 : i32
      scf.if %cond3A_110 {
        %add3A_130 = arith.constant 2 : i32
        %add3A_131 = arith.addi %add3A_97, %add3A_130 : i32
        %mul3A_132 = arith.constant 128 : i32
        %mul3A_133 = arith.muli %add3A_131, %mul3A_132 : i32
        %dma_start3A_134 = tpu.memref_slice %arg7[%mul3A_133] : memref<15872xi32, #tpu.memory_space<vmem>> -> memref<128xi32, #tpu.memory_space<vmem>>
        %dma_start3A_135 = arith.constant 0 : i32
        %dma_start3A_136 = arith.constant 0 : i32
        %dma_start3A_137 = tpu.memref_slice %arg2[%dma_start3A_135, %dma_start3A_136] : memref<10000x128xf32, #tpu.memory_space<hbm>> -> memref<10000x128xf32, #tpu.memory_space<hbm>>
        tpu.enqueue_indirect_dma source(%dma_start3A_137 : memref<10000x128xf32, #tpu.memory_space<hbm>>) target(%arg10 : memref<128x128xf32, #tpu.memory_space<vmem>>) offsets(%dma_start3A_134 : memref<128xi32, #tpu.memory_space<vmem>>) semaphore(%arg13 : memref<!tpu.dma_semaphore, #tpu.memory_space<semaphore_mem>>)
      } else {
      }
      %mul3A_111 = arith.constant 2 : i32
      %mul3A_112 = arith.muli %mul3A_111, %while3A_93 : i32
      %add3A_113 = arith.constant 1 : i32
      %add3A_114 = arith.addi %mul3A_112, %add3A_113 : i32
      %mul3A_115 = arith.constant 128 : i32
      %mul3A_116 = arith.muli %add3A_114, %mul3A_115 : i32
      %dma_wait3A_117 = tpu.memref_slice %arg7[%mul3A_116] : memref<15872xi32, #tpu.memory_space<vmem>> -> memref<128xi32, #tpu.memory_space<vmem>>
      %dma_wait3A_118 = arith.constant 0 : i32
      %dma_wait3A_119 = arith.constant 0 : i32
      %dma_wait3A_120 = tpu.memref_slice %arg2[%dma_wait3A_118, %dma_wait3A_119] : memref<10000x128xf32, #tpu.memory_space<hbm>> -> memref<10000x128xf32, #tpu.memory_space<hbm>>
      tpu.wait_indirect_dma semaphore(%arg14 : memref<!tpu.dma_semaphore, #tpu.memory_space<semaphore_mem>>) src(%dma_wait3A_120 : memref<10000x128xf32, #tpu.memory_space<hbm>>) dst(%arg11 : memref<128x128xf32, #tpu.memory_space<vmem>>)
      %mul3A_121 = arith.constant 128 : i32
      %mul3A_122 = arith.muli %add3A_114, %mul3A_121 : i32
      %add3A_123 = arith.addi %select_n3A_35, %mul3A_122 : i32
      "tpu.region"() ({
        %run_scoped3A = tpu.sem_alloc : memref<!tpu.dma_semaphore, #tpu.memory_space<semaphore_mem>>
        %dma_start3A_130 = tpu.memref_slice %arg5[%add3A_123] : memref<327680xi32, #tpu.memory_space<hbm>> -> memref<128xi32, #tpu.memory_space<hbm>>
        %dma_start3A_131 = tpu.memref_slice %arg5[%add3A_123] : memref<327680xi32, #tpu.memory_space<hbm>> -> memref<128xi32, #tpu.memory_space<hbm>>
        tpu.enqueue_dma source(%dma_start3A_131 : memref<128xi32, #tpu.memory_space<hbm>>) target(%arg9 : memref<128xi32, #tpu.memory_space<vmem>>) target_semaphore(%run_scoped3A : memref<!tpu.dma_semaphore, #tpu.memory_space<semaphore_mem>>)
        %dma_wait3A_132 = tpu.memref_slice %arg5[%add3A_123] : memref<327680xi32, #tpu.memory_space<hbm>> -> memref<128xi32, #tpu.memory_space<hbm>>
        %dma_wait3A_133 = tpu.memref_slice %arg5[%add3A_123] : memref<327680xi32, #tpu.memory_space<hbm>> -> memref<128xi32, #tpu.memory_space<hbm>>
        tpu.wait_dma2 semaphore(%run_scoped3A : memref<!tpu.dma_semaphore, #tpu.memory_space<semaphore_mem>>) src(%dma_wait3A_133 : memref<128xi32, #tpu.memory_space<hbm>>) dst(%arg9 : memref<128xi32, #tpu.memory_space<vmem>>)
        tpu.yield
      }) : () -> ()
      "tpu.region"() ({
        %run_scoped3A = tpu.sem_alloc : memref<!tpu.dma_semaphore, #tpu.memory_space<semaphore_mem>>
        %dma_start3A_130 = arith.constant 0 : i32
        %dma_start3A_131 = arith.constant 0 : i32
        %dma_start3A_132 = tpu.memref_slice %arg12[%dma_start3A_130, %dma_start3A_131] : memref<10240x128xf32, #tpu.memory_space<vmem_shared>> -> memref<10240x128xf32, #tpu.memory_space<vmem_shared>>
        tpu.enqueue_indirect_dma source(%arg11 : memref<128x128xf32, #tpu.memory_space<vmem>>) target(%dma_start3A_132 : memref<10240x128xf32, #tpu.memory_space<vmem_shared>>) offsets(%arg9 : memref<128xi32, #tpu.memory_space<vmem>>) semaphore(%run_scoped3A : memref<!tpu.dma_semaphore, #tpu.memory_space<semaphore_mem>>) {add = true}
        %dma_wait3A_133 = arith.constant 0 : i32
        %dma_wait3A_134 = arith.constant 0 : i32
        %dma_wait3A_135 = tpu.memref_slice %arg12[%dma_wait3A_133, %dma_wait3A_134] : memref<10240x128xf32, #tpu.memory_space<vmem_shared>> -> memref<10240x128xf32, #tpu.memory_space<vmem_shared>>
        tpu.wait_indirect_dma semaphore(%run_scoped3A : memref<!tpu.dma_semaphore, #tpu.memory_space<semaphore_mem>>) src(%arg11 : memref<128x128xf32, #tpu.memory_space<vmem>>) dst(%dma_wait3A_135 : memref<10240x128xf32, #tpu.memory_space<vmem_shared>>)
        tpu.yield
      }) : () -> ()
      %add3A_124 = arith.constant 2 : i32
      %add3A_125 = arith.addi %add3A_114, %add3A_124 : i32
      %lt3A_126 = arith.cmpi slt, %add3A_125, %select_n3A : i32
      %convert_element_type3A_127 = arith.extui %lt3A_126 : i1 to i32
      %cond3A_128 = arith.constant 0 : i32
      %cond3A_129 = arith.cmpi ne, %convert_element_type3A_127, %cond3A_128 : i32
      scf.if %cond3A_129 {
        %add3A_130 = arith.constant 2 : i32
        %add3A_131 = arith.addi %add3A_114, %add3A_130 : i32
        %mul3A_132 = arith.constant 128 : i32
        %mul3A_133 = arith.muli %add3A_131, %mul3A_132 : i32
        %dma_start3A_134 = tpu.memref_slice %arg7[%mul3A_133] : memref<15872xi32, #tpu.memory_space<vmem>> -> memref<128xi32, #tpu.memory_space<vmem>>
        %dma_start3A_135 = arith.constant 0 : i32
        %dma_start3A_136 = arith.constant 0 : i32
        %dma_start3A_137 = tpu.memref_slice %arg2[%dma_start3A_135, %dma_start3A_136] : memref<10000x128xf32, #tpu.memory_space<hbm>> -> memref<10000x128xf32, #tpu.memory_space<hbm>>
        tpu.enqueue_indirect_dma source(%dma_start3A_137 : memref<10000x128xf32, #tpu.memory_space<hbm>>) target(%arg11 : memref<128x128xf32, #tpu.memory_space<vmem>>) offsets(%dma_start3A_134 : memref<128xi32, #tpu.memory_space<vmem>>) semaphore(%arg14 : memref<!tpu.dma_semaphore, #tpu.memory_space<semaphore_mem>>)
      } else {
      }
    }
    %barrier3A_84 = arith.constant 0 : index
    tpu.barrier barrier_id(%barrier3A_84)
    %not3A_85 = arith.constant true
    %not3A_86 = arith.xori %eq3A_0, %not3A_85 : i1
    %convert_element_type3A_87 = arith.extui %not3A_86 : i1 to i32
    %cond3A_88 = arith.constant 0 : i32
    %cond3A_89 = arith.cmpi ne, %convert_element_type3A_87, %cond3A_88 : i32
    scf.if %cond3A_89 {
      "tpu.region"() ({
        %run_scoped3A = tpu.sem_alloc : memref<!tpu.dma_semaphore, #tpu.memory_space<semaphore_mem>>
        %dma_start3A_93 = arith.constant 0 : i32
        %dma_start3A_94 = tpu.memref_slice %arg6[%arg0, %mul3A_1, %dma_start3A_93] : memref<2x10240x128xf32, #tpu.memory_space<hbm>> -> memref<1x640x128xf32, #tpu.memory_space<hbm>>
        %dma_start3A_95 = tpu.memref_squeeze %dma_start3A_94 : memref<1x640x128xf32, #tpu.memory_space<hbm>> -> memref<640x128xf32, #tpu.memory_space<hbm>>
        %dma_start3A_96 = arith.constant 0 : i32
        %dma_start3A_97 = tpu.memref_slice %arg12[%mul3A_1, %dma_start3A_96] : memref<10240x128xf32, #tpu.memory_space<vmem_shared>> -> memref<640x128xf32, #tpu.memory_space<vmem_shared>>
        tpu.enqueue_dma source(%dma_start3A_97 : memref<640x128xf32, #tpu.memory_space<vmem_shared>>) target(%dma_start3A_95 : memref<640x128xf32, #tpu.memory_space<hbm>>) target_semaphore(%run_scoped3A : memref<!tpu.dma_semaphore, #tpu.memory_space<semaphore_mem>>)
        %dma_wait3A = arith.constant 0 : i32
        %dma_wait3A_98 = tpu.memref_slice %arg6[%arg0, %mul3A_1, %dma_wait3A] : memref<2x10240x128xf32, #tpu.memory_space<hbm>> -> memref<1x640x128xf32, #tpu.memory_space<hbm>>
        %dma_wait3A_99 = tpu.memref_squeeze %dma_wait3A_98 : memref<1x640x128xf32, #tpu.memory_space<hbm>> -> memref<640x128xf32, #tpu.memory_space<hbm>>
        %dma_wait3A_100 = arith.constant 0 : i32
        %dma_wait3A_101 = tpu.memref_slice %arg12[%mul3A_1, %dma_wait3A_100] : memref<10240x128xf32, #tpu.memory_space<vmem_shared>> -> memref<640x128xf32, #tpu.memory_space<vmem_shared>>
        tpu.wait_dma2 semaphore(%run_scoped3A : memref<!tpu.dma_semaphore, #tpu.memory_space<semaphore_mem>>) src(%dma_wait3A_101 : memref<640x128xf32, #tpu.memory_space<vmem_shared>>) dst(%dma_wait3A_99 : memref<640x128xf32, #tpu.memory_space<hbm>>)
        tpu.yield
      }) : () -> ()
    } else {
    }
    %convert_element_type3A_90 = arith.extui %eq3A_0 : i1 to i32
    %cond3A_91 = arith.constant 0 : i32
    %cond3A_92 = arith.cmpi ne, %convert_element_type3A_90, %cond3A_91 : i32
    scf.if %cond3A_92 {
      "tpu.region"() ({
        %run_scoped3A = tpu.sem_alloc : memref<!tpu.dma_semaphore, #tpu.memory_space<semaphore_mem>>
        %dma_start3A_93 = arith.constant 0 : i32
        %dma_start3A_94 = tpu.memref_slice %arg6[%arg0, %mul3A_1, %dma_start3A_93] : memref<2x10240x128xf32, #tpu.memory_space<hbm>> -> memref<1x400x128xf32, #tpu.memory_space<hbm>>
        %dma_start3A_95 = tpu.memref_squeeze %dma_start3A_94 : memref<1x400x128xf32, #tpu.memory_space<hbm>> -> memref<400x128xf32, #tpu.memory_space<hbm>>
        %dma_start3A_96 = arith.constant 0 : i32
        %dma_start3A_97 = tpu.memref_slice %arg12[%mul3A_1, %dma_start3A_96] : memref<10240x128xf32, #tpu.memory_space<vmem_shared>> -> memref<400x128xf32, #tpu.memory_space<vmem_shared>>
        tpu.enqueue_dma source(%dma_start3A_97 : memref<400x128xf32, #tpu.memory_space<vmem_shared>>) target(%dma_start3A_95 : memref<400x128xf32, #tpu.memory_space<hbm>>) target_semaphore(%run_scoped3A : memref<!tpu.dma_semaphore, #tpu.memory_space<semaphore_mem>>)
        %dma_wait3A = arith.constant 0 : i32
        %dma_wait3A_98 = tpu.memref_slice %arg6[%arg0, %mul3A_1, %dma_wait3A] : memref<2x10240x128xf32, #tpu.memory_space<hbm>> -> memref<1x400x128xf32, #tpu.memory_space<hbm>>
        %dma_wait3A_99 = tpu.memref_squeeze %dma_wait3A_98 : memref<1x400x128xf32, #tpu.memory_space<hbm>> -> memref<400x128xf32, #tpu.memory_space<hbm>>
        %dma_wait3A_100 = arith.constant 0 : i32
        %dma_wait3A_101 = tpu.memref_slice %arg12[%mul3A_1, %dma_wait3A_100] : memref<10240x128xf32, #tpu.memory_space<vmem_shared>> -> memref<400x128xf32, #tpu.memory_space<vmem_shared>>
        tpu.wait_dma2 semaphore(%run_scoped3A : memref<!tpu.dma_semaphore, #tpu.memory_space<semaphore_mem>>) src(%dma_wait3A_101 : memref<400x128xf32, #tpu.memory_space<vmem_shared>>) dst(%dma_wait3A_99 : memref<400x128xf32, #tpu.memory_space<hbm>>)
        tpu.yield
      }) : () -> ()
    } else {
    }
    return
  }
}

module attributes {stable_mosaic.version = 14 : i64} {
  func.func @_mlp_body(%arg0: i32, %arg1: memref<1000x128xf32, #tpu.memory_space<vmem>>, %arg2: memref<1000x128xf32, #tpu.memory_space<vmem>>, %arg3: memref<128x128xf32, #tpu.memory_space<vmem>>, %arg4: memref<1x128xf32, #tpu.memory_space<vmem>>, %arg5: memref<128x128xf32, #tpu.memory_space<vmem>>, %arg6: memref<1x128xf32, #tpu.memory_space<vmem>>, %arg7: memref<1000x128xf32, #tpu.memory_space<vmem>>) attributes {dimension_semantics = [#tpu.dimension_semantics<arbitrary>], iteration_bounds = array<i64: 10>, scalar_prefetch = 0 : i64, scratch_operands = 0 : i64, tpu.core_type = #tpu.core_type<tc>, window_params = [{transform_indices = @transform_0, window_bounds = array<i64: 1000, 128>}, {transform_indices = @transform_1, window_bounds = array<i64: 1000, 128>}, {pipeline_mode = #tpu.pipeline_mode<synchronous>, transform_indices = @transform_2, window_bounds = array<i64: 128, 128>}, {pipeline_mode = #tpu.pipeline_mode<synchronous>, transform_indices = @transform_3, window_bounds = array<i64: 1, 128>}, {pipeline_mode = #tpu.pipeline_mode<synchronous>, transform_indices = @transform_4, window_bounds = array<i64: 128, 128>}, {pipeline_mode = #tpu.pipeline_mode<synchronous>, transform_indices = @transform_5, window_bounds = array<i64: 1, 128>}, {transform_indices = @transform_6, window_bounds = array<i64: 1000, 128>}]} {
    %get3A = arith.constant 0 : index
    %get3A_0 = arith.constant 0 : index
    %get3A_1 = vector.load %arg1[%get3A, %get3A_0] : memref<1000x128xf32, #tpu.memory_space<vmem>>, vector<1000x128xf32>
    %get3A_2 = arith.constant 0 : index
    %get3A_3 = arith.constant 0 : index
    %get3A_4 = vector.load %arg2[%get3A_2, %get3A_3] : memref<1000x128xf32, #tpu.memory_space<vmem>>, vector<1000x128xf32>
    %add3A = arith.addf %get3A_1, %get3A_4 : vector<1000x128xf32>
    %get3A_5 = arith.constant 0 : index
    %get3A_6 = arith.constant 0 : index
    %get3A_7 = vector.load %arg3[%get3A_5, %get3A_6] : memref<128x128xf32, #tpu.memory_space<vmem>>, vector<128x128xf32>
    %dot_general3A = arith.constant dense<0.000000e+00> : vector<1000x128xf32>
    %dot_general3A_8 = tpu.matmul %add3A, %get3A_7, %dot_general3A {dimension_numbers = #tpu.dot_dimension_numbers<[1], [0], [0], [1], [0, 0, 1, 1], [], []>, transpose_lhs_hint = false} : vector<1000x128xf32>, vector<128x128xf32>, vector<1000x128xf32> -> vector<1000x128xf32>
    %get3A_9 = arith.constant 0 : index
    %get3A_10 = arith.constant 0 : index
    %get3A_11 = vector.load %arg4[%get3A_9, %get3A_10] : memref<1x128xf32, #tpu.memory_space<vmem>>, vector<1x128xf32>
    %add3A_12 = vector.broadcast %get3A_11 : vector<1x128xf32> to vector<1000x128xf32>
    %add3A_13 = arith.addf %dot_general3A_8, %add3A_12 : vector<1000x128xf32>
    %max3A = arith.constant 0.000000e+00 : f32
    %max3A_14 = vector.broadcast %max3A : f32 to vector<1000x128xf32>
    %max3A_15 = arith.maximumf %add3A_13, %max3A_14 : vector<1000x128xf32>
    %get3A_16 = arith.constant 0 : index
    %get3A_17 = arith.constant 0 : index
    %get3A_18 = vector.load %arg5[%get3A_16, %get3A_17] : memref<128x128xf32, #tpu.memory_space<vmem>>, vector<128x128xf32>
    %dot_general3A_19 = arith.constant dense<0.000000e+00> : vector<1000x128xf32>
    %dot_general3A_20 = tpu.matmul %max3A_15, %get3A_18, %dot_general3A_19 {dimension_numbers = #tpu.dot_dimension_numbers<[1], [0], [0], [1], [0, 0, 1, 1], [], []>, transpose_lhs_hint = false} : vector<1000x128xf32>, vector<128x128xf32>, vector<1000x128xf32> -> vector<1000x128xf32>
    %get3A_21 = arith.constant 0 : index
    %get3A_22 = arith.constant 0 : index
    %get3A_23 = vector.load %arg6[%get3A_21, %get3A_22] : memref<1x128xf32, #tpu.memory_space<vmem>>, vector<1x128xf32>
    %add3A_24 = vector.broadcast %get3A_23 : vector<1x128xf32> to vector<1000x128xf32>
    %add3A_25 = arith.addf %dot_general3A_20, %add3A_24 : vector<1000x128xf32>
    %max3A_26 = arith.constant 0.000000e+00 : f32
    %max3A_27 = vector.broadcast %max3A_26 : f32 to vector<1000x128xf32>
    %max3A_28 = arith.maximumf %add3A_25, %max3A_27 : vector<1000x128xf32>
    %swap3A = arith.constant 0 : index
    %swap3A_29 = arith.constant 0 : index
    %swap3A_30 = vector.load %arg7[%swap3A, %swap3A_29] : memref<1000x128xf32, #tpu.memory_space<vmem>>, vector<1000x128xf32>
    tpu.vector_store %arg7[%swap3A, %swap3A_29], %max3A_28 {strides = array<i32>} : memref<1000x128xf32, #tpu.memory_space<vmem>>, vector<1000x128xf32>,
    return
  }
  func.func @transform_0(%arg0: i32) -> (i32, i32) {
    %c0_i32 = arith.constant 0 : i32
    %c0_i32_0 = arith.constant 0 : i32
    return %arg0, %c0_i32 : i32, i32
  }
  func.func @transform_1(%arg0: i32) -> (i32, i32) {
    %c0_i32 = arith.constant 0 : i32
    %c0_i32_0 = arith.constant 0 : i32
    return %arg0, %c0_i32 : i32, i32
  }
  func.func @transform_2(%arg0: i32) -> (i32, i32) {
    %c0_i32 = arith.constant 0 : i32
    %c0_i32_0 = arith.constant 0 : i32
    %c0_i32_1 = arith.constant 0 : i32
    return %c0_i32, %c0_i32_0 : i32, i32
  }
  func.func @transform_3(%arg0: i32) -> (i32, i32) {
    %c0_i32 = arith.constant 0 : i32
    %c0_i32_0 = arith.constant 0 : i32
    %c0_i32_1 = arith.constant 0 : i32
    return %c0_i32, %c0_i32_0 : i32, i32
  }
  func.func @transform_4(%arg0: i32) -> (i32, i32) {
    %c0_i32 = arith.constant 0 : i32
    %c0_i32_0 = arith.constant 0 : i32
    %c0_i32_1 = arith.constant 0 : i32
    return %c0_i32, %c0_i32_0 : i32, i32
  }
  func.func @transform_5(%arg0: i32) -> (i32, i32) {
    %c0_i32 = arith.constant 0 : i32
    %c0_i32_0 = arith.constant 0 : i32
    %c0_i32_1 = arith.constant 0 : i32
    return %c0_i32, %c0_i32_0 : i32, i32
  }
  func.func @transform_6(%arg0: i32) -> (i32, i32) {
    %c0_i32 = arith.constant 0 : i32
    %c0_i32_0 = arith.constant 0 : i32
    return %arg0, %c0_i32 : i32, i32
  }
}

module attributes {stable_mosaic.version = 14 : i64} {
  func.func @_mlp_body(%arg0: i32, %arg1: memref<1000x128xf32, #tpu.memory_space<vmem>>, %arg2: memref<1000x128xf32, #tpu.memory_space<vmem>>, %arg3: memref<128x128xf32, #tpu.memory_space<vmem>>, %arg4: memref<1x128xf32, #tpu.memory_space<vmem>>, %arg5: memref<128x128xf32, #tpu.memory_space<vmem>>, %arg6: memref<1x128xf32, #tpu.memory_space<vmem>>, %arg7: memref<1000x128xf32, #tpu.memory_space<vmem>>) attributes {dimension_semantics = [#tpu.dimension_semantics<arbitrary>], iteration_bounds = array<i64: 10>, scalar_prefetch = 0 : i64, scratch_operands = 0 : i64, tpu.core_type = #tpu.core_type<tc>, window_params = [{transform_indices = @transform_0, window_bounds = array<i64: 1000, 128>}, {transform_indices = @transform_1, window_bounds = array<i64: 1000, 128>}, {pipeline_mode = #tpu.pipeline_mode<synchronous>, transform_indices = @transform_2, window_bounds = array<i64: 128, 128>}, {pipeline_mode = #tpu.pipeline_mode<synchronous>, transform_indices = @transform_3, window_bounds = array<i64: 1, 128>}, {pipeline_mode = #tpu.pipeline_mode<synchronous>, transform_indices = @transform_4, window_bounds = array<i64: 128, 128>}, {pipeline_mode = #tpu.pipeline_mode<synchronous>, transform_indices = @transform_5, window_bounds = array<i64: 1, 128>}, {transform_indices = @transform_6, window_bounds = array<i64: 1000, 128>}]} {
    %get3A = arith.constant 0 : index
    %get3A_0 = arith.constant 0 : index
    %get3A_1 = vector.load %arg1[%get3A, %get3A_0] : memref<1000x128xf32, #tpu.memory_space<vmem>>, vector<1000x128xf32>
    %get3A_2 = arith.constant 0 : index
    %get3A_3 = arith.constant 0 : index
    %get3A_4 = vector.load %arg2[%get3A_2, %get3A_3] : memref<1000x128xf32, #tpu.memory_space<vmem>>, vector<1000x128xf32>
    %add3A = arith.addf %get3A_1, %get3A_4 : vector<1000x128xf32>
    %get3A_5 = arith.constant 0 : index
    %get3A_6 = arith.constant 0 : index
    %get3A_7 = vector.load %arg3[%get3A_5, %get3A_6] : memref<128x128xf32, #tpu.memory_space<vmem>>, vector<128x128xf32>
    %dot_general3A = arith.constant dense<0.000000e+00> : vector<1000x128xf32>
    %dot_general3A_8 = tpu.matmul %add3A, %get3A_7, %dot_general3A {dimension_numbers = #tpu.dot_dimension_numbers<[1], [0], [0], [1], [0, 0, 1, 1], [], []>, transpose_lhs_hint = false} : vector<1000x128xf32>, vector<128x128xf32>, vector<1000x128xf32> -> vector<1000x128xf32>
    %get3A_9 = arith.constant 0 : index
    %get3A_10 = arith.constant 0 : index
    %get3A_11 = vector.load %arg4[%get3A_9, %get3A_10] : memref<1x128xf32, #tpu.memory_space<vmem>>, vector<1x128xf32>
    %add3A_12 = vector.broadcast %get3A_11 : vector<1x128xf32> to vector<1000x128xf32>
    %add3A_13 = arith.addf %dot_general3A_8, %add3A_12 : vector<1000x128xf32>
    %max3A = arith.constant 0.000000e+00 : f32
    %max3A_14 = vector.broadcast %max3A : f32 to vector<1000x128xf32>
    %max3A_15 = arith.maximumf %add3A_13, %max3A_14 : vector<1000x128xf32>
    %get3A_16 = arith.constant 0 : index
    %get3A_17 = arith.constant 0 : index
    %get3A_18 = vector.load %arg5[%get3A_16, %get3A_17] : memref<128x128xf32, #tpu.memory_space<vmem>>, vector<128x128xf32>
    %dot_general3A_19 = arith.constant dense<0.000000e+00> : vector<1000x128xf32>
    %dot_general3A_20 = tpu.matmul %max3A_15, %get3A_18, %dot_general3A_19 {dimension_numbers = #tpu.dot_dimension_numbers<[1], [0], [0], [1], [0, 0, 1, 1], [], []>, transpose_lhs_hint = false} : vector<1000x128xf32>, vector<128x128xf32>, vector<1000x128xf32> -> vector<1000x128xf32>
    %get3A_21 = arith.constant 0 : index
    %get3A_22 = arith.constant 0 : index
    %get3A_23 = vector.load %arg6[%get3A_21, %get3A_22] : memref<1x128xf32, #tpu.memory_space<vmem>>, vector<1x128xf32>
    %add3A_24 = vector.broadcast %get3A_23 : vector<1x128xf32> to vector<1000x128xf32>
    %add3A_25 = arith.addf %dot_general3A_20, %add3A_24 : vector<1000x128xf32>
    %max3A_26 = arith.constant 0.000000e+00 : f32
    %max3A_27 = vector.broadcast %max3A_26 : f32 to vector<1000x128xf32>
    %max3A_28 = arith.maximumf %add3A_25, %max3A_27 : vector<1000x128xf32>
    %swap3A = arith.constant 0 : index
    %swap3A_29 = arith.constant 0 : index
    %swap3A_30 = vector.load %arg7[%swap3A, %swap3A_29] : memref<1000x128xf32, #tpu.memory_space<vmem>>, vector<1000x128xf32>
    tpu.vector_store %arg7[%swap3A, %swap3A_29], %max3A_28 {strides = array<i32>} : memref<1000x128xf32, #tpu.memory_space<vmem>>, vector<1000x128xf32>,
    return
  }
  func.func @transform_0(%arg0: i32) -> (i32, i32) {
    %c0_i32 = arith.constant 0 : i32
    %c0_i32_0 = arith.constant 0 : i32
    return %arg0, %c0_i32 : i32, i32
  }
  func.func @transform_1(%arg0: i32) -> (i32, i32) {
    %c0_i32 = arith.constant 0 : i32
    %c0_i32_0 = arith.constant 0 : i32
    return %arg0, %c0_i32 : i32, i32
  }
  func.func @transform_2(%arg0: i32) -> (i32, i32) {
    %c0_i32 = arith.constant 0 : i32
    %c0_i32_0 = arith.constant 0 : i32
    %c0_i32_1 = arith.constant 0 : i32
    return %c0_i32, %c0_i32_0 : i32, i32
  }
  func.func @transform_3(%arg0: i32) -> (i32, i32) {
    %c0_i32 = arith.constant 0 : i32
    %c0_i32_0 = arith.constant 0 : i32
    %c0_i32_1 = arith.constant 0 : i32
    return %c0_i32, %c0_i32_0 : i32, i32
  }
  func.func @transform_4(%arg0: i32) -> (i32, i32) {
    %c0_i32 = arith.constant 0 : i32
    %c0_i32_0 = arith.constant 0 : i32
    %c0_i32_1 = arith.constant 0 : i32
    return %c0_i32, %c0_i32_0 : i32, i32
  }
  func.func @transform_5(%arg0: i32) -> (i32, i32) {
    %c0_i32 = arith.constant 0 : i32
    %c0_i32_0 = arith.constant 0 : i32
    %c0_i32_1 = arith.constant 0 : i32
    return %c0_i32, %c0_i32_0 : i32, i32
  }
  func.func @transform_6(%arg0: i32) -> (i32, i32) {
    %c0_i32 = arith.constant 0 : i32
    %c0_i32_0 = arith.constant 0 : i32
    return %arg0, %c0_i32 : i32, i32
  }
}

</mosaic_0001>

<sc_bundles>
// kernel: kernel.6.cloned.1.call-start
scs
__scs_entry_jumppad:
0x0: {  	(pc) =	sbr.rel $0x88, $3  }
0x1: {  	(tag) =	ssettag $0x0;
	lr =	simm.s32 $0x1  }
0x2: {  	[smem:$0x3F97] =	sst lr;
	_ =	strace $0xD0000000  }
0x3: {  	_ = 	snop  }
0x4: {  	_ = 	snop  }
0x5: {  	_ = 	snop  }
0x6: {  	_ = 	snop  }
0x7: {  	_ = 	snop  }
__scs_overlays_trampoline_lowered:
0x8: {  	[smem:$0x3FA6] =	sst s0  }
0x9: {  	[smem:$0x3FA7] =	sst s1  }
0xa: {  	[smem:$0x3FA8] =	sst s2  }
0xb: {  	[smem:$0x3FA9] =	sst s3  }
0xc: {  	[smem:$0x3FAA] =	sst s4  }
0xd: {  	[smem:$0x3FAB] =	sst s5  }
0xe: {  	[smem:$0x3FAC] =	sst s6  }
0xf: {  	[smem:$0x3FAD] =	sst s7  }
0x10: {  	[smem:$0x3FAE] =	sst s8  }
0x11: {  	[smem:$0x3FAF] =	sst s9;
	s0 =	simm.s32 @!p0 $0x0  }
0x12: {  	s1 =	sld [smem:$0x3F95];
	s0 =	simm.s32 @p0 $0x1  }
0x13: {  	[smem:$0x3FB0] =	sst s0;
	s0 =	simm.s32 @!p1 $0x0  }
0x14: {  	s2 =	sld [smem:$0x3F94];
	s0 =	simm.s32 @p1 $0x1  }
0x15: {  	[smem:$0x3FB1] =	sst s0;
	s0 =	simm.s32 @!p2 $0x0  }
0x16: {  	s3 =	sld [smem:$0x3FDB];
	s0 =	simm.s32 @p2 $0x1  }
0x17: {  	s4 =	simm.s32 $0x1BF5;
	[smem:$0x3FB3] =	sst s0  }
0x18: {  	s0 =	sld [smem:$0x3F96];
	_ =	swait.ge [sflag:s4], $0x0  }
0x19: {  	s7 =	sld [smem:$0x3F97]  }
0x1a: {  	s8 =	sadd.s32 $0xFFFFE003, lr  }
0x1b: {  	s9 =	sadd.s32 $0xFFFFFEF7, lr;
	s5 =	simm.s32 $0xFFFFFFFF;
	p2 =	slt.u32 s8, $0xFFFFF086  }
0x1c: {  	p1 =	slt.u32 s9, $0xF7A;
	s5 =	simm.s32 @!p2 $0x0  }
0x1d: {  	s5 =	simm.s32 @p1 $0x1;
	p0 =	seq.s32 s7, s2  }
0x1e: {  	s7 =	smul.u32 @!p0 $0xF7A, s2;
	p2 =	seq.s32 @!p0 s5, $0x0  }
0x1f: {  	s9 =	smul.u32 $0xF7A, s1;
	s8 =	simm.s32 @!p0 $0x1BF5;
	p2 =	por !p2, p0  }
0x20: {  	[sflag:s8] =	ssyncset.s32 @!p0 $0xFFFFF086;
	s6 =	sadd.s32 @!p0 s3, s7;
	s7 =	simm.s32 @!p0 $0x108  }
0x21: {  	s3 =	sadd.s32 s3, s9;
	s6 =	sadd.s32 @!p0 $0x88, s6;
	s7 =	simm.s32 @p2 $0x1082  }
0x22: {  	[simem:s7], [sflag:s8] =	dma.local @!p0 [hbm:s6], $0xF7A  }
0x23: {  	s9 =	sor.u32 $0xD0000000, s2;
	s6 =	simm.s32 $0x108;
	_ =	swait.ge @!p0 [sflag:s8], $0x0  }
0x24: {  	s3 =	sadd.s32 $0x88, s3;
	s6 =	simm.s32 @!p1 $0x1082;
	[sflag:s4] =	ssyncset.s32 $0xFFFFF086  }
0x25: {  	[simem:s6], [sflag:s4] =	dma.local [hbm:s3], $0xF7A  }
0x26: {  	[smem:$0x3F97] =	sst s1;
	(tag) =	ssettag s2;
	_ =	strace s9  }
0x27: {  	s1 =	sld [smem:$0x3FA7]  }
0x28: {  	s2 =	sld [smem:$0x3FA8]  }
0x29: {  	s4 =	sld [smem:$0x3FAA]  }
0x2a: {  	p0 =	seq.s32 s5, $0x0;
	s5 =	sld [smem:$0x3FAB]  }
0x2b: {  	s6 =	sld [smem:$0x3FAC]  }
0x2c: {  	s7 =	sld [smem:$0x3FAD]  }
0x2d: {  	s3 =	simm.s32 $0x108;
	s8 =	sld [smem:$0x3FAE]  }
0x2e: {  	s3 =	simm.s32 @!p0 $0x1082;
	s9 =	sld [smem:$0x3FAF]  }
0x2f: {  	lr =	sadd.s32 s0, s3;
	s0 =	sld [smem:$0x3FA6]  }
0x30: {  	s3 =	sld [smem:$0x3FA9]  }
0x31: {  	[smem:$0x3FB2] =	sst s10  }
0x32: {  	s10 =	sld [smem:$0x3FB0];
	_ =	sdelay $0x3  }
0x33: {  	p0 =	seq.s32 s10, $0x1;
	s10 =	sld [smem:$0x3FB2];
	_ =	sdelay $0x3  }
0x34: {  	[smem:$0x3FB2] =	sst s10  }
0x35: {  	s10 =	sld [smem:$0x3FB1];
	_ =	sdelay $0x3  }
0x36: {  	p1 =	seq.s32 s10, $0x1;
	s10 =	sld [smem:$0x3FB2];
	_ =	sdelay $0x3  }
0x37: {  	[smem:$0x3FB2] =	sst s10  }
0x38: {  	s10 =	sld [smem:$0x3FB3]  }
0x39: {  	_ = 	snop;
	(pc) =	sbr.ind lr, $3  }
0x3a: {  	_ = 	snop  }
0x3b: {  	_ = 	snop  }
0x3c: {  	p2 =	seq.s32 s10, $0x1;
	s10 =	sld [smem:$0x3FB2]  }
0x3d: {  	_ =	shalt  }
0x3e: {  	_ =	shalt  }
0x3f: {  	_ =	shalt  }
0x40: {  	_ =	shalt  }
0x41: {  	_ =	shalt  }
0x42: {  	_ =	shalt  }
0x43: {  	_ =	shalt  }
0x44: {  	_ =	shalt  }
0x45: {  	_ =	shalt  }
0x46: {  	_ =	shalt  }
0x47: {  	_ =	shalt  }
0x48: {  	_ =	shalt  }
0x49: {  	_ =	shalt  }
0x4a: {  	_ =	shalt  }
0x4b: {  	_ =	shalt  }
0x4c: {  	_ =	shalt  }
0x4d: {  	_ =	shalt  }
0x4e: {  	_ =	shalt  }
0x4f: {  	_ =	shalt  }
0x50: {  	_ =	shalt  }
0x51: {  	_ =	shalt  }
0x52: {  	_ =	shalt  }
0x53: {  	_ =	shalt  }
0x54: {  	_ =	shalt  }
0x55: {  	_ =	shalt  }
0x56: {  	_ =	shalt  }
0x57: {  	_ =	shalt  }
0x58: {  	_ =	shalt  }
0x59: {  	_ =	shalt  }
0x5a: {  	_ =	shalt  }
0x5b: {  	_ =	shalt  }
0x5c: {  	_ =	shalt  }
0x5d: {  	_ =	shalt  }
0x5e: {  	_ =	shalt  }
0x5f: {  	_ =	shalt  }
0x60: {  	_ =	shalt  }
0x61: {  	_ =	shalt  }
0x62: {  	_ =	shalt  }
0x63: {  	_ =	shalt  }
0x64: {  	_ =	shalt  }
0x65: {  	_ =	shalt  }
0x66: {  	_ =	shalt  }
0x67: {  	_ =	shalt  }
0x68: {  	_ =	shalt  }
0x69: {  	_ =	shalt  }
0x6a: {  	_ =	shalt  }
0x6b: {  	_ =	shalt  }
0x6c: {  	_ =	shalt  }
0x6d: {  	_ =	shalt  }
0x6e: {  	_ =	shalt  }
0x6f: {  	_ =	shalt  }
0x70: {  	_ =	shalt  }
0x71: {  	_ =	shalt  }
0x72: {  	_ =	shalt  }
0x73: {  	_ =	shalt  }
0x74: {  	_ =	shalt  }
0x75: {  	_ =	shalt  }
0x76: {  	_ =	shalt  }
0x77: {  	_ =	shalt  }
0x78: {  	_ =	shalt  }
0x79: {  	_ =	shalt  }
0x7a: {  	_ =	shalt  }
0x7b: {  	_ =	shalt  }
0x7c: {  	_ =	shalt  }
0x7d: {  	_ =	shalt  }
0x7e: {  	_ =	shalt  }
0x7f: {  	_ =	shalt  }
0x80: {  	_ =	shalt  }
0x81: {  	_ =	shalt  }
0x82: {  	_ =	shalt  }
0x83: {  	_ =	shalt  }
0x84: {  	_ =	shalt  }
0x85: {  	_ =	shalt  }
0x86: {  	_ =	shalt  }
0x87: {  	_ =	shalt  }
.Lfunc_end0:
.L_simem_size_0:
called_computation_lowered:
.L_overlay_start_0:
0x88: {  	s2 =	sld [smem:$0x3FD9]  }
0x89: {  	s3 =	sld [smem:$0x3FFE];
	_ =	sdelay $0x1  }
0x8a: {  	s1 =	srdreg.scid  }
0x8b: {  	s0 =	sand.u32 $0x1, s1  }
0x8c: {  	s17 =	sshll.u32 s0, $0xA;
	s2 =	sadd.s32 s3, s2  }
0x8d: {  	s2 =	sadd.s32 s2, s17  }
0x8e: {  	[smem:$0x3FBE] =	sst s2  }
0x8f: {  	_ = 	snop  }
0x90: {  	s2 =	sld [smem:$0x3FC9]  }
0x91: {  	s18 =	sld [smem:$0x3FD0];
	(tm) =	ssettm $0x1  }
0x92: {  	s4 =	sld [smem:$0x3FFB];
	_ =	sdelay $0x3  }
0x93: {  	_ =	strace s4  }
0x94: {  	s4 =	sld [smem:$0x3FFC];
	_ =	sdelay $0x3  }
0x95: {  	_ =	strace s4  }
0x96: {  	s4 =	sld [smem:$0x3FFD];
	_ =	sdelay $0x3  }
0x97: {  	_ =	strace s4  }
0x98: {  	_ =	strace $0x8FFFFFFF  }
0x99: {  	s19 =	sld [smem:$0x3FDB];
	_ =	sdelay $0x1  }
0x9a: {  	s5 =	simm.s32 $_scs_section_size  }
0x9b: {  	s6 =	simm.s32 $_size__tile_overlayer_lowered;
	s7 =	simm.s32 $_tile_overlayer_lowered  }
0x9c: {  	s22 =	simm.s32 $0x1BFF;
	s21 =	sshll.u32 s7, $0x1;
	s4 =	sadd.s32 s5, s19  }
0x9d: {  	s8 =	simm.s32 $0x0;
	s20 =	sshll.u32 s6, $0x1;
	s6 =	sadd.s32 s21, s4  }
0x9e: {  	[timem:s8], [sflag:s22] =	dma.local [hbm:s6], s20  }
0x9f: {  	_ =	swait.ge [sflag:s22], s20  }
0xa0: {  	s5 =	ssub.s32 $0x0, s20;
	[sflag:s22] =	ssyncset.done $0x0  }
0xa1: {  	[sflag:s22] =	ssyncadd.s32 s5;
	_ =	sdelay $0x1  }
0xa2: {  	s23 =	simm.s32 $0x1B8B  }
0xa3: {  	_ =	swait.ge [sflag:s23], $0x1  }
0xa4: {  	[sflag:s23] =	ssyncset.done $0x0  }
0xa5: {  	s25 =	simm.s32 $0x1B8E;
	s24 =	sld [smem:$0x3FFE];
	[sflag:s23] =	ssyncadd.s32 $0xFFFFFFFF  }
0xa6: {  	s26 =	simm.s32 $execute0_lowered;
	[smem:$0x3FD2] =	sst s25  }
0xa7: {  	s6 =	sshll.u32 s26, $0x1;
	_ =	strace $0x80000046;
	[dreg:$0x1] =	wrdreg $0xFFFFFFFF  }
0xa8: {  	s28 =	simm.s32 $_size_execute0_lowered;
	s4 =	sadd.s32 s4, s6;
	[dreg:$0x0] =	wrdreg $0x0  }
0xa9: {  	s6 =	sshll.u32 s28, $0x1;
	[dreg:$0x2] =	wrdreg s4  }
0xaa: {  	[dreg:$0x3] =	wrdreg s6  }
0xab: {  	[dreg:$0x4] =	wrdreg $0xC0  }
0xac: {  	_ =	task [dreg:s8], $0x5FFFF  }
0xad: {  	[dreg:$0x1] =	wrdreg $0xFFFFFFFF  }
0xae: {  	[dreg:$0x0] =	wrdreg $0x60  }
0xaf: {  	[dreg:$0x2] =	wrdreg s2  }
0xb0: {  	[dreg:$0x3] =	wrdreg s18  }
0xb1: {  	[dreg:$0x4] =	wrdreg s24  }
0xb2: {  	[dreg:$0x5] =	wrdreg $0xBF000  }
0xb3: {  	[dreg:$0x6] =	wrdreg $0x9  }
0xb4: {  	_ =	task.clear_ibuf [dreg:s8], $0x7FFFF;
	_ =	strace $0x90000046  }
0xb5: {  	s29 =	simm.s32 $0x9;
	_ =	strace $0x80000048  }
0xb6: {  	_ =	swait.ge [sflag:s29], $0x1  }
0xb7: {  	[sflag:s29] =	ssyncadd.s32 $0xFFFFFFFF  }
0xb8: {  	_ =	strace $0x90000048  }
0xb9: {  	_ =	sfence  }
0xba: {  	s30 =	sld [smem:$0x0];
	_ =	sdelay $0x2  }
0xbb: {  	s31 =	sshll.u32 s1, $0xD;
	s1 =	sshrl.u32 s1, $0x2  }
0xbc: {  	s3 =	sand.u32 $0x4000, s31;
	s1 =	sadd.s32 s1, s30  }
0xbd: {  	s0 =	sor.u32 s3, s0;
	s1 =	sshll.u32 s1, $0x11  }
0xbe: {  	s0 =	sor.u32 s1, s0  }
0xbf: {  	s0 =	sadd.s32 $0x8F2B, s0  }
0xc0: {  	[sflag:s0] =	ssyncadd.remote.s32 $0x1  }
0xc1: {  	_ =	sfence.sel $0xFFFF  }
0xc2: {  	[dreg:$0x0] =	wrdreg $0xFFFFFFFF;
	(pc) =	sbr.abs _section_cstart, $3  }
0xc3: {  	[dreg:$0x1] =	wrdreg $0xFFFFFFFF  }
0xc4: {  	_ =	task.clear_ibuf [dreg:s8], $0x2FFFF;
	_ =	strace $0x9FFFFFFF  }
0xc5: {  	(tm) =	ssettm $0x7FFFFFFF  }
tec
execute0_lowered:
.L_overlay_start_1:
0x0: {  	(tag) =	ssettag $0x1  }
0x1: {  	s1 =	rddreg [dreg:$0x0]  }
0x2: {  	s0 =	rddreg [dreg:$0x1]  }
0x3: {  	s5 =	rddreg [dreg:$0x2]  }
0x4: {  	s3 =	rddreg [dreg:$0x3];
	s2 =	stileid.u32  }
0x5: {  	s6 =	srdreg.scid;
	s4 =	simm.s32 $0x0;
	s10 =	simm.s32 $0x7C  }
0x6: {  	s28 =	simm.s32 $0x3E80;
	s30 =	simm.s32 $0x0;
	s7 =	smul.u32 $0x1200, s2  }
0x7: {  	s6 =	sand.u32 $0x1, s6;
	s8 =	smul.u32 $0x3E00, s2;
	[smem:$0x7FF] =	sst s4  }
0x8: {  	s12 =	sadd.s32 $0xB600, s5;
	s15 =	sadd.s32 $0x15600, s5;
	s21 =	smul.u32 $0x50000, s2  }
0x9: {  	p0 =	seq.s32 s2, $0xF;
	p3 =	sne.s32 s2, $0xF;
	s11 =	smul.u32 $0x2800, s2  }
0xa: {  	s9 =	sadd.s32 $0x25800, s1;
	s23 =	sadd.s32 $0x25800, s0;
	s17 =	smul.u32 $0x14000, s2  }
0xb: {  	p2 =	seq.s32 s6, $0x0;
	_ =	strace $0x80000047;
	s18 =	ssub.s32 $0x2, s6  }
0xc: {  	p5 =	seq.s32 s6, $0x1;
	[dreg:$0x5] =	wrdreg s9;
	s14 =	smul.u32 $0x140000, s6  }
0xd: {  	[dreg:$0x7] =	wrdreg s23;
	s23 =	simm.s32 $0x7F00;
	s7 =	sadd.s32 $0x3E000, s7  }
0xe: {  	s20 =	sshrl.u32 s18, $0x1;
	p1 =	por !p2, !p3;
	p4 =	por !p2, !p0  }
0xf: {  	p3 =	por !p3, !p5;
	s22 =	sadd.s32 s1, s11;
	s0 =	sadd.s32 s0, s11  }
0x10: {  	s10 =	simm.s32 @!p2 $0x24;
	s24 =	sshrl.u32 s8, $0x3;
	p6 =	por !p0, !p5  }
0x11: {  	s7 =	smov.u32 @p2 s8;
	s16 =	ssub.s32 s18, s20;
	[dreg:$0x6] =	wrdreg s22  }
0x12: {  	p1 =	por !p1, !p1;
	p4 =	por !p4, !p4;
	[dreg:$0x8] =	wrdreg s0  }
0x13: {  	s0 =	sadd.s32 s12, s24;
	s25 =	sshrl.u32 s14, $0x3;
	s26 =	sadd.s32 s17, s14  }
0x14: {  	p2 =	por !p6, !p6;
	s31 =	sshll.u32 s10, $0x4;
	s20 =	simm.s32 $0x3  }
0x15: {  	p6 =	sne.s32 s6, $0x0;
	s22 =	simm.s32 $0x3F00;
	s24 =	simm.s32 $0x1  }
0x16: {  	s13 =	sshrl.u32 s7, $0x3;
	s7 =	sshrl.u32 s21, $0x2;
	[dreg:$0x9] =	wrdreg s0  }
0x17: {  	s0 =	sadd.s32 s15, s25;
	s8 =	sshrl.u32 s26, $0x3;
	s16 =	smax.u32 s16, $0x1  }
0x18: {  	s17 =	sadd.s32 $0xFFFFFFE0, s31;
	s21 =	simm.s32 $0x80;
	s25 =	simm.s32 $0x3E00  }
0x19: {  	s26 =	simm.s32 $0x2;
	s19 =	sadd.s32 s13, s5;
	s5 =	simm.s32 @!p4 $0x0  }
0x1a: {  	s7 =	sadd.s32 s7, s3;
	s29 =	sadd.s32 s12, s13;
	s14 =	sadd.s32 $0x25800, s0  }
0x1b: {  	s15 =	sadd.s32 s15, s8;
	s0 =	simm.s32 @!p5 $0x0;
	s5 =	simm.s32 @p4 $0x1  }
0x1c: {  	p4 =	por !p3, !p3;
	[dreg:$0xa] =	wrdreg s29;
	s0 =	simm.s32 @p5 $0x1  }
0x1d: {  	s18 =	sadd.s32 $0x1610, s19;
	s19 =	sadd.s32 $0x1600, s19;
	[smem:$0x7FC] =	sst s5  }
0x1e: {  	s5 =	sadd.s32 $0x12C000, s3;
	[smem:$0x7FD] =	sst s0;
	p5 =	por !p2, p4  }
.LBB2_1:
.Ltmp0:
0x1f: {  	(pc) =	sbr.rel @!p1 .LBB2_5-.Ltmp0, $1  }
0x20: {  	_ =	sdelay $0x3  }
0x21: {  	s0 =	sshll.u32 s2, $0x6;
	s6 =	sshrl.u32 s7, $0x3  }
.Ltmp1:
0x22: {  	s8 =	rddreg [dreg:$0x6];
	s0 =	sor.u32 $0x1C03, s0;
	(pc) =	sbr.rel .LBB2_3-.Ltmp1, $4  }
0x23: {  	[spmem:s6], [sflag:s0] =	dma.local [hbm:s8], $0x2800  }
0x24: {  	_ =	swait.ge [sflag:s20], $0x2800  }
0x25: {  	[sflag:s20] =	ssyncset.done $0x0  }
0x26: {  	[sflag:s20] =	ssyncadd.s32 $0xFFFFD800  }
.LBB2_5:
0x27: {  	s0 =	sld [smem:$0x7FC];
	_ =	sdelay $0x2  }
0x28: {  	p2 =	seq.s32 s0, $0x1  }
.Ltmp2:
0x29: {  	_ = 	snop;
	(pc) =	sbr.rel @!p2 .LBB2_3-.Ltmp2, $1  }
0x2a: {  	_ =	sdelay $0x3  }
0x2b: {  	s0 =	sshrl.u32 s5, $0x3;
	s6 =	rddreg [dreg:$0x5];
	s8 =	simm.s32 $0x1FC3  }
0x2c: {  	[spmem:s0], [sflag:s8] =	dma.local [hbm:s6], $0x1900  }
0x2d: {  	_ =	swait.ge [sflag:s20], $0x1900  }
0x2e: {  	[sflag:s20] =	ssyncset.done $0x0  }
0x2f: {  	[sflag:s20] =	ssyncadd.s32 $0xFFFFE700  }
0x30: {  	[bflag:$0x0] =	sbarrier.arrive $0xFFFF  }
.Ltmp3:
0x31: {  	s31 =	rddreg [dreg:$0x9];
	(pc) =	sbr.rel .LBB2_9-.Ltmp3, $4  }
0x32: {  	[tilespmem:s4], [sflag:$0x3] =	stream.linear.gather [hbm4b:s31+s4], $0x3E00, $0x38;
	[tilespmem:$0x1FF00] =	vst v63  }
0x33: {  	_ =	swait.ge [sflag:s20], $0x3E00  }
0x34: {  	[sflag:s20] =	ssyncset.done $0x0  }
0x35: {  	[sflag:s20] =	ssyncadd.s32 $0xFFFFC200  }
.LBB2_3:
0x36: {  	s0 =	sshrl.u32 @!p5 s5, $0x3;
	s6 =	simm.s32 @!p5 $0x1FC3;
	s8 =	rddreg [dreg:$0x7]  }
0x37: {  	[spmem:s0], [sflag:s6] =	dma.local @!p5 [hbm:s8], $0x1900  }
0x38: {  	s0 =	simm.s32 @!p5 $0x3  }
0x39: {  	_ =	swait.ge @!p5 [sflag:s0], $0x1900  }
0x3a: {  	s6 =	sshll.u32 @p4 s2, $0x6;
	[sflag:s0] =	ssyncset.done @!p5 $0x0;
	s8 =	rddreg [dreg:$0x8]  }
0x3b: {  	[sflag:s0] =	ssyncadd.s32 @!p5 $0xFFFFE700;
	s0 =	sor.u32 @p4 $0x1C03, s6;
	s6 =	sshrl.u32 @p4 s7, $0x3  }
0x3c: {  	[spmem:s6], [sflag:s0] =	dma.local @p4 [hbm:s8], $0x2800  }
0x3d: {  	s0 =	simm.s32 @p4 $0x3  }
0x3e: {  	_ =	swait.ge @p4 [sflag:s0], $0x2800  }
0x3f: {  	s31 =	sld [smem:$0x7FD]  }
.Ltmp4:
0x40: {  	_ = 	snop;
	(pc) =	sbr.rel @p6 .LBB2_7-.Ltmp4, $4  }
0x41: {  	[sflag:s0] =	ssyncset.done @p4 $0x0  }
0x42: {  	p2 =	por @!p5 $0x1, $0x1;
	[sflag:s0] =	ssyncadd.s32 @p4 $0xFFFFD800;
	p3 =	seq.s32 s31, $0x1  }
0x43: {  	[bflag:$0x0] =	sbarrier.arrive $0xFFFF;
	p3 =	por @!p5 p2, p2;
	p2 =	por @p4 $0x1, $0x1  }
0x44: {  	p2 =	por @!p4 p3, p3  }
0x45: {  	s0 =	rddreg [dreg:$0x9]  }
0x46: {  	[tilespmem:s4], [sflag:$0x3] =	stream.linear.gather [hbm4b:s0+s4], $0x3E00, $0x38;
	[tilespmem:$0x1FF00] =	vst v63  }
.Ltmp5:
0x47: {  	_ = 	snop;
	(pc) =	sbr.rel @p2 .LBB2_8-.Ltmp5, $4  }
.Ltmp6:
0x48: {  	_ = 	snop;
	(pc) =	sbr.rel @!p2 .LBB2_9-.Ltmp6, $4  }
0x49: {  	_ =	swait.ge [sflag:s20], $0x3E00  }
0x4a: {  	[sflag:s20] =	ssyncset.done $0x0  }
0x4b: {  	[sflag:s20] =	ssyncadd.s32 $0xFFFFC200  }
0x4c: {  	_ = 	snop  }
.LBB2_7:
.Ltmp7:
0x4d: {  	(pc) =	sbr.rel @!p2 .LBB2_9-.Ltmp7, $1  }
0x4e: {  	_ =	sdelay $0x3  }
.LBB2_8:
0x4f: {  	s0 =	rddreg [dreg:$0xa]  }
0x50: {  	[tilespmem:s4], [sflag:$0x3] =	stream.linear.gather [hbm4b:s0+s4], $0x1200, $0x38;
	[tilespmem:$0x1FF00] =	vst v63  }
0x51: {  	_ =	swait.ge [sflag:s20], $0x1200  }
0x52: {  	[sflag:s20] =	ssyncset.done $0x0  }
0x53: {  	[sflag:s20] =	ssyncadd.s32 $0xFFFFEE00  }
.LBB2_9:
0x54: {  	s0 =	simm.s32 $0x0  }
0x55: {  	[tilespmem:s22], [sflag:$0x1] =	stream.indirect.gather [hbm4b:s1+s21], $0x80, s0, s21, $0xb8;
	[tilespmem:$0x1FF00] =	vst v63  }
0x56: {  	_ = 	snop  }
0x57: {  	[tilespmem:s23], [sflag:$0x2] =	stream.indirect.gather [hbm4b:s1+s21], $0x80, s21, s21, $0xb8;
	[tilespmem:$0x1FF00] =	vst v63  }
0x58: {  	_ =	swait.ge [sflag:s24], $0x4000  }
0x59: {  	[sflag:s24] =	ssyncset.done $0x0  }
0x5a: {  	s12 =	sadd.s32 $0x0, s19;
	[sflag:s24] =	ssyncadd.s32 $0xFFFFC000  }
0x5b: {  	[tilespmem:s25], [sflag:$0x3] =	stream.linear.gather [hbm4b:s12+s4], $0x80, $0x38;
	[tilespmem:$0x1FF00] =	vst v63  }
0x5c: {  	_ =	swait.ge [sflag:s20], $0x80  }
0x5d: {  	[sflag:s20] =	ssyncset.done $0x0  }
0x5e: {  	[sflag:s20] =	ssyncadd.s32 $0xFFFFFF80  }
0x5f: {  	[spmem:s3] =	stream.indirect.scatter.add.f32 [tilespmem:s22], [sflag:$0x3], $0x80, s25, s21, $0xb8;
	[tilespmem:$0x1FF00] =	vst v63  }
0x60: {  	p2 =	sle.u32 s10, $0x2;
	_ =	swait.ge [sflag:s20], $0x4000  }
0x61: {  	s0 =	simm.s32 @!p2 $0x100;
	[sflag:s20] =	ssyncset.done $0x0  }
0x62: {  	s6 =	simm.s32 @!p2 $0x80;
	s8 =	simm.s32 @!p2 $0x3F00;
	[sflag:s20] =	ssyncadd.s32 $0xFFFFC000  }
0x63: {  	[tilespmem:s8], [sflag:$0x1] =	stream.indirect.gather @!p2 [hbm4b:s1+s6], $0x80, s0, s6, $0xb8;
	[tilespmem:$0x1FF00] =	vst v63  }
0x64: {  	_ =	swait.ge [sflag:s26], $0x4000  }
0x65: {  	[sflag:s26] =	ssyncset.done $0x0  }
0x66: {  	s13 =	sadd.s32 $0x0, s18;
	[sflag:s26] =	ssyncadd.s32 $0xFFFFC000  }
0x67: {  	[tilespmem:s28], [sflag:$0x3] =	stream.linear.gather [hbm4b:s13+s4], $0x80, $0x38;
	[tilespmem:$0x1FF00] =	vst v63  }
0x68: {  	s31 =	simm.s32 $0x180;
	p2 =	sne.s32 s17, $0x20;
	_ =	swait.ge [sflag:s20], $0x80  }
.Ltmp8:
0x69: {  	p3 =	sle.u32 s10, $0x3;
	[sflag:s20] =	ssyncset.done $0x0;
	(pc) =	sbr.rel @!p2 .LBB2_11-.Ltmp8, $4  }
0x6a: {  	s29 =	simm.s32 $0x20;
	s12 =	simm.s32 @!p3 $0x7F00;
	[sflag:s20] =	ssyncadd.s32 $0xFFFFFF80  }
0x6b: {  	[spmem:s3] =	stream.indirect.scatter.add.f32 [tilespmem:s23], [sflag:$0x3], $0x80, s28, s21, $0xb8;
	[tilespmem:$0x1FF00] =	vst v63  }
0x6c: {  	s0 =	simm.s32 $0x5;
	s8 =	simm.s32 @!p3 $0x80;
	_ =	swait.ge [sflag:s20], $0x4000  }
0x6d: {  	s6 =	simm.s32 $0x180;
	s13 =	simm.s32 $0x180;
	[sflag:s20] =	ssyncset.done $0x0  }
.LBB2_10:
0x6e: {  	s6 =	smov.u32 s31;
	s31 =	sadd.s32 $0x100, s31  }
0x6f: {  	s9 =	smov.u32 s29;
	s29 =	sadd.s32 $0x20, s29;
	[sflag:s20] =	ssyncadd.s32 $0xFFFFC000  }
0x70: {  	[tilespmem:s12], [sflag:$0x2] =	stream.indirect.gather @!p3 [hbm4b:s1+s8], $0x80, s13, s8, $0xb8;
	[tilespmem:$0x1FF00] =	vst v63  }
0x71: {  	p2 =	sne.s32 s17, s29;
	s13 =	smov.u32 s31;
	_ =	swait.ge [sflag:s24], $0x4000  }
0x72: {  	s8 =	sadd.s32 s9, s19;
	[sflag:s24] =	ssyncset.done $0x0  }
0x73: {  	[sflag:s24] =	ssyncadd.s32 $0xFFFFC000  }
0x74: {  	[tilespmem:s25], [sflag:$0x3] =	stream.linear.gather [hbm4b:s8+s4], $0x80, $0x38;
	[tilespmem:$0x1FF00] =	vst v63  }
0x75: {  	_ =	swait.ge [sflag:s20], $0x80  }
0x76: {  	[sflag:s20] =	ssyncset.done $0x0  }
0x77: {  	s8 =	sadd.s32 $0xFFFFFFFF, s0;
	[sflag:s20] =	ssyncadd.s32 $0xFFFFFF80  }
0x78: {  	[spmem:s3] =	stream.indirect.scatter.add.f32 [tilespmem:s22], [sflag:$0x3], $0x80, s25, s21, $0xb8;
	[tilespmem:$0x1FF00] =	vst v63  }
0x79: {  	p3 =	sge.u32 s8, s10;
	_ =	swait.ge [sflag:s20], $0x4000  }
0x7a: {  	s8 =	sadd.s32 @!p3 $0xFFFFFF80, s31;
	s12 =	simm.s32 @!p3 $0x80;
	[sflag:s20] =	ssyncset.done $0x0  }
0x7b: {  	s11 =	simm.s32 @!p3 $0x3F00;
	[sflag:s20] =	ssyncadd.s32 $0xFFFFC000  }
0x7c: {  	[tilespmem:s11], [sflag:$0x1] =	stream.indirect.gather @!p3 [hbm4b:s1+s12], $0x80, s8, s12, $0xb8;
	[tilespmem:$0x1FF00] =	vst v63  }
0x7d: {  	_ =	swait.ge [sflag:s26], $0x4000  }
0x7e: {  	s8 =	sadd.s32 s9, s18;
	[sflag:s26] =	ssyncset.done $0x0  }
0x7f: {  	[sflag:s26] =	ssyncadd.s32 $0xFFFFC000  }
0x80: {  	[tilespmem:s28], [sflag:$0x3] =	stream.linear.gather [hbm4b:s8+s4], $0x80, $0x38;
	[tilespmem:$0x1FF00] =	vst v63  }
0x81: {  	_ =	swait.ge [sflag:s20], $0x80  }
.Ltmp9:
0x82: {  	[sflag:s20] =	ssyncset.done $0x0;
	(pc) =	sbr.rel @p2 .LBB2_10-.Ltmp9, $4  }
0x83: {  	[sflag:s20] =	ssyncadd.s32 $0xFFFFFF80  }
0x84: {  	[spmem:s3] =	stream.indirect.scatter.add.f32 [tilespmem:s23], [sflag:$0x3], $0x80, s28, s21, $0xb8;
	[tilespmem:$0x1FF00] =	vst v63  }
0x85: {  	p3 =	sge.u32 s0, s10;
	s0 =	sadd.s32 $0x2, s0;
	_ =	swait.ge [sflag:s20], $0x4000  }
0x86: {  	s12 =	simm.s32 @!p3 $0x7F00;
	s8 =	simm.s32 @!p3 $0x80;
	[sflag:s20] =	ssyncset.done $0x0  }
.LBB2_11:
0x87: {  	[sflag:s20] =	ssyncadd.s32 $0xFFFFC000  }
0x88: {  	[tilespmem:s12], [sflag:$0x2] =	stream.indirect.gather @!p3 [hbm4b:s1+s8], $0x80, s13, s8, $0xb8;
	[tilespmem:$0x1FF00] =	vst v63  }
0x89: {  	_ =	swait.ge [sflag:s24], $0x4000  }
0x8a: {  	[sflag:s24] =	ssyncset.done $0x0  }
0x8b: {  	s12 =	sadd.s32 s29, s19;
	[sflag:s24] =	ssyncadd.s32 $0xFFFFC000  }
0x8c: {  	[tilespmem:s25], [sflag:$0x3] =	stream.linear.gather [hbm4b:s12+s4], $0x80, $0x38;
	[tilespmem:$0x1FF00] =	vst v63  }
0x8d: {  	_ =	swait.ge [sflag:s20], $0x80  }
0x8e: {  	[sflag:s20] =	ssyncset.done $0x0  }
0x8f: {  	s13 =	sadd.s32 $0xFFFFFFFF, s0;
	[sflag:s20] =	ssyncadd.s32 $0xFFFFFF80  }
0x90: {  	[spmem:s3] =	stream.indirect.scatter.add.f32 [tilespmem:s22], [sflag:$0x3], $0x80, s25, s21, $0xb8;
	[tilespmem:$0x1FF00] =	vst v63  }
0x91: {  	p2 =	sge.u32 s13, s10;
	_ =	swait.ge [sflag:s20], $0x4000  }
0x92: {  	s6 =	sadd.s32 @!p2 $0x80, s6;
	[sflag:s20] =	ssyncset.done $0x0  }
0x93: {  	s8 =	simm.s32 @!p2 $0x80;
	s9 =	simm.s32 @!p2 $0x3F00;
	[sflag:s20] =	ssyncadd.s32 $0xFFFFC000  }
0x94: {  	[tilespmem:s9], [sflag:$0x1] =	stream.indirect.gather @!p2 [hbm4b:s1+s8], $0x80, s6, s8, $0xb8;
	[tilespmem:$0x1FF00] =	vst v63  }
0x95: {  	_ =	swait.ge [sflag:s26], $0x4000  }
0x96: {  	[sflag:s26] =	ssyncset.done $0x0  }
0x97: {  	s29 =	sadd.s32 s29, s18;
	[sflag:s26] =	ssyncadd.s32 $0xFFFFC000  }
0x98: {  	[tilespmem:s28], [sflag:$0x3] =	stream.linear.gather [hbm4b:s29+s4], $0x80, $0x38;
	[tilespmem:$0x1FF00] =	vst v63  }
0x99: {  	_ =	swait.ge [sflag:s20], $0x80  }
0x9a: {  	[sflag:s20] =	ssyncset.done $0x0  }
0x9b: {  	[sflag:s20] =	ssyncadd.s32 $0xFFFFFF80  }
0x9c: {  	[spmem:s3] =	stream.indirect.scatter.add.f32 [tilespmem:s23], [sflag:$0x3], $0x80, s28, s21, $0xb8;
	[tilespmem:$0x1FF00] =	vst v63  }
0x9d: {  	_ =	swait.ge [sflag:s20], $0x4000  }
0x9e: {  	s6 =	sadd.s32 $0x100, s31;
	p2 =	sge.u32 s0, s10;
	[sflag:s20] =	ssyncset.done $0x0  }
0x9f: {  	s0 =	simm.s32 @!p2 $0x80;
	s8 =	simm.s32 @!p2 $0x7F00;
	[sflag:s20] =	ssyncadd.s32 $0xFFFFC000  }
0xa0: {  	[tilespmem:s8], [sflag:$0x2] =	stream.indirect.gather @!p2 [hbm4b:s1+s0], $0x80, s6, s0, $0xb8;
	[tilespmem:$0x1FF00] =	vst v63  }
0xa1: {  	s0 =	sshrl.u32 @p0 s5, $0x3;
	s6 =	simm.s32 @p0 $0x1FC3;
	[bflag:$0x0] =	sbarrier.arrive $0xFFFF  }
0xa2: {  	[hbm:s14], [sflag:s6] =	dma.local @p0 [spmem:s0], $0x1900  }
0xa3: {  	s0 =	simm.s32 @p0 $0x3  }
0xa4: {  	s30 =	sadd.s32 $0x1, s30;
	_ =	swait.ge @p0 [sflag:s0], $0x1900  }
0xa5: {  	p2 =	sne.s32 s30, s16;
	s6 =	sshll.u32 @!p0 s2, $0x6;
	[sflag:s0] =	ssyncset.done @p0 $0x0  }
0xa6: {  	[sflag:s0] =	ssyncadd.s32 @p0 $0xFFFFE700;
	s0 =	sor.u32 @!p0 $0x1C03, s6;
	s6 =	sshrl.u32 @!p0 s7, $0x3  }
0xa7: {  	[hbm:s15], [sflag:s0] =	dma.local @!p0 [spmem:s6], $0x2800  }
.Ltmp10:
0xa8: {  	_ = 	snop;
	(pc) =	sbr.rel @p2 .LBB2_1-.Ltmp10, $4  }
0xa9: {  	s0 =	simm.s32 @!p0 $0x3  }
0xaa: {  	_ =	swait.ge @!p0 [sflag:s0], $0x2800  }
0xab: {  	[sflag:s0] =	ssyncset.done @!p0 $0x0  }
0xac: {  	[sflag:s0] =	ssyncadd.s32 @!p0 $0xFFFFD800  }
0xad: {  	_ =	sfence.sel $0x180000  }
0xae: {  	[bflag:$0x0] =	sbarrier.arrive $0xFFFF  }
0xaf: {  	_ =	strace $0x90000047  }
0xb0: {  	[bflag:$0x2] =	sbarrier.arrive $0xFFFF  }
0xb1: {  	p0 =	sne.s32 s2, $0x0;
	s0 =	rddreg [dreg:$0x4]  }
0xb2: {  	s0 =	sadd.s32 @!p0 $0x100000, s0  }
0xb3: {  	[sflag:s0] =	ssyncadd.tile.s32 @!p0 $0x1;
	_ =	shalt  }
.Lfunc_end2:
_tile_overlayer_lowered:
.L_overlay_start_2:
0xb4: {  	(tag) =	ssettag $0x2  }
0xb5: {  	s0 =	rddreg [dreg:$0x0];
	s2 =	stileid.u32  }
0xb6: {  	s1 =	rddreg [dreg:$0x1];
	p0 =	sne.s32 s2, $0x0  }
0xb7: {  	s3 =	rddreg [dreg:$0x2];
	[bflag:$0x3] =	sbarrier.arrive $0xFFFF;
	s2 =	simm.s32 @!p0 $0x1C03  }
0xb8: {  	[timem:s3], [sflag:s2] =	dma.local @!p0 [hbm:s0], s1  }
0xb9: {  	s0 =	simm.s32 @!p0 $0x3  }
0xba: {  	_ =	swait.ge @!p0 [sflag:s0], s1  }
0xbb: {  	s1 =	ssub.s32 @!p0 $0x0, s1;
	[sflag:s0] =	ssyncset.done @!p0 $0x0  }
0xbc: {  	[sflag:s0] =	ssyncadd.s32 @!p0 s1  }
0xbd: {  	[bflag:$0x3] =	sbarrier.arrive $0xFFFF  }
0xbe: {  	_ =	shalt  }

// kernel: kernel.9.cloned.1.call-start
scs
__scs_entry_jumppad:
0x0: {  	(pc) =	sbr.rel $0x88, $3  }
0x1: {  	(tag) =	ssettag $0x0;
	lr =	simm.s32 $0x1  }
0x2: {  	[smem:$0x3F97] =	sst lr;
	_ =	strace $0xD0000000  }
0x3: {  	_ = 	snop  }
0x4: {  	_ = 	snop  }
0x5: {  	_ = 	snop  }
0x6: {  	_ = 	snop  }
0x7: {  	_ = 	snop  }
__scs_overlays_trampoline_lowered:
0x8: {  	[smem:$0x3FA6] =	sst s0  }
0x9: {  	[smem:$0x3FA7] =	sst s1  }
0xa: {  	[smem:$0x3FA8] =	sst s2  }
0xb: {  	[smem:$0x3FA9] =	sst s3  }
0xc: {  	[smem:$0x3FAA] =	sst s4  }
0xd: {  	[smem:$0x3FAB] =	sst s5  }
0xe: {  	[smem:$0x3FAC] =	sst s6  }
0xf: {  	[smem:$0x3FAD] =	sst s7  }
0x10: {  	[smem:$0x3FAE] =	sst s8  }
0x11: {  	[smem:$0x3FAF] =	sst s9;
	s0 =	simm.s32 @!p0 $0x0  }
0x12: {  	s1 =	sld [smem:$0x3F95];
	s0 =	simm.s32 @p0 $0x1  }
0x13: {  	[smem:$0x3FB0] =	sst s0;
	s0 =	simm.s32 @!p1 $0x0  }
0x14: {  	s2 =	sld [smem:$0x3F94];
	s0 =	simm.s32 @p1 $0x1  }
0x15: {  	[smem:$0x3FB1] =	sst s0;
	s0 =	simm.s32 @!p2 $0x0  }
0x16: {  	s3 =	sld [smem:$0x3FDB];
	s0 =	simm.s32 @p2 $0x1  }
0x17: {  	s4 =	simm.s32 $0x1BF5;
	[smem:$0x3FB3] =	sst s0  }
0x18: {  	s0 =	sld [smem:$0x3F96];
	_ =	swait.ge [sflag:s4], $0x0  }
0x19: {  	s7 =	sld [smem:$0x3F97]  }
0x1a: {  	s8 =	sadd.s32 $0xFFFFE003, lr  }
0x1b: {  	s9 =	sadd.s32 $0xFFFFFEF7, lr;
	s5 =	simm.s32 $0xFFFFFFFF;
	p2 =	slt.u32 s8, $0xFFFFF086  }
0x1c: {  	p1 =	slt.u32 s9, $0xF7A;
	s5 =	simm.s32 @!p2 $0x0  }
0x1d: {  	s5 =	simm.s32 @p1 $0x1;
	p0 =	seq.s32 s7, s2  }
0x1e: {  	s7 =	smul.u32 @!p0 $0xF7A, s2;
	p2 =	seq.s32 @!p0 s5, $0x0  }
0x1f: {  	s9 =	smul.u32 $0xF7A, s1;
	s8 =	simm.s32 @!p0 $0x1BF5;
	p2 =	por !p2, p0  }
0x20: {  	[sflag:s8] =	ssyncset.s32 @!p0 $0xFFFFF086;
	s6 =	sadd.s32 @!p0 s3, s7;
	s7 =	simm.s32 @!p0 $0x108  }
0x21: {  	s3 =	sadd.s32 s3, s9;
	s6 =	sadd.s32 @!p0 $0x88, s6;
	s7 =	simm.s32 @p2 $0x1082  }
0x22: {  	[simem:s7], [sflag:s8] =	dma.local @!p0 [hbm:s6], $0xF7A  }
0x23: {  	s9 =	sor.u32 $0xD0000000, s2;
	s6 =	simm.s32 $0x108;
	_ =	swait.ge @!p0 [sflag:s8], $0x0  }
0x24: {  	s3 =	sadd.s32 $0x88, s3;
	s6 =	simm.s32 @!p1 $0x1082;
	[sflag:s4] =	ssyncset.s32 $0xFFFFF086  }
0x25: {  	[simem:s6], [sflag:s4] =	dma.local [hbm:s3], $0xF7A  }
0x26: {  	[smem:$0x3F97] =	sst s1;
	(tag) =	ssettag s2;
	_ =	strace s9  }
0x27: {  	s1 =	sld [smem:$0x3FA7]  }
0x28: {  	s2 =	sld [smem:$0x3FA8]  }
0x29: {  	s4 =	sld [smem:$0x3FAA]  }
0x2a: {  	p0 =	seq.s32 s5, $0x0;
	s5 =	sld [smem:$0x3FAB]  }
0x2b: {  	s6 =	sld [smem:$0x3FAC]  }
0x2c: {  	s7 =	sld [smem:$0x3FAD]  }
0x2d: {  	s3 =	simm.s32 $0x108;
	s8 =	sld [smem:$0x3FAE]  }
0x2e: {  	s3 =	simm.s32 @!p0 $0x1082;
	s9 =	sld [smem:$0x3FAF]  }
0x2f: {  	lr =	sadd.s32 s0, s3;
	s0 =	sld [smem:$0x3FA6]  }
0x30: {  	s3 =	sld [smem:$0x3FA9]  }
0x31: {  	[smem:$0x3FB2] =	sst s10  }
0x32: {  	s10 =	sld [smem:$0x3FB0];
	_ =	sdelay $0x3  }
0x33: {  	p0 =	seq.s32 s10, $0x1;
	s10 =	sld [smem:$0x3FB2];
	_ =	sdelay $0x3  }
0x34: {  	[smem:$0x3FB2] =	sst s10  }
0x35: {  	s10 =	sld [smem:$0x3FB1];
	_ =	sdelay $0x3  }
0x36: {  	p1 =	seq.s32 s10, $0x1;
	s10 =	sld [smem:$0x3FB2];
	_ =	sdelay $0x3  }
0x37: {  	[smem:$0x3FB2] =	sst s10  }
0x38: {  	s10 =	sld [smem:$0x3FB3]  }
0x39: {  	_ = 	snop;
	(pc) =	sbr.ind lr, $3  }
0x3a: {  	_ = 	snop  }
0x3b: {  	_ = 	snop  }
0x3c: {  	p2 =	seq.s32 s10, $0x1;
	s10 =	sld [smem:$0x3FB2]  }
0x3d: {  	_ =	shalt  }
0x3e: {  	_ =	shalt  }
0x3f: {  	_ =	shalt  }
0x40: {  	_ =	shalt  }
0x41: {  	_ =	shalt  }
0x42: {  	_ =	shalt  }
0x43: {  	_ =	shalt  }
0x44: {  	_ =	shalt  }
0x45: {  	_ =	shalt  }
0x46: {  	_ =	shalt  }
0x47: {  	_ =	shalt  }
0x48: {  	_ =	shalt  }
0x49: {  	_ =	shalt  }
0x4a: {  	_ =	shalt  }
0x4b: {  	_ =	shalt  }
0x4c: {  	_ =	shalt  }
0x4d: {  	_ =	shalt  }
0x4e: {  	_ =	shalt  }
0x4f: {  	_ =	shalt  }
0x50: {  	_ =	shalt  }
0x51: {  	_ =	shalt  }
0x52: {  	_ =	shalt  }
0x53: {  	_ =	shalt  }
0x54: {  	_ =	shalt  }
0x55: {  	_ =	shalt  }
0x56: {  	_ =	shalt  }
0x57: {  	_ =	shalt  }
0x58: {  	_ =	shalt  }
0x59: {  	_ =	shalt  }
0x5a: {  	_ =	shalt  }
0x5b: {  	_ =	shalt  }
0x5c: {  	_ =	shalt  }
0x5d: {  	_ =	shalt  }
0x5e: {  	_ =	shalt  }
0x5f: {  	_ =	shalt  }
0x60: {  	_ =	shalt  }
0x61: {  	_ =	shalt  }
0x62: {  	_ =	shalt  }
0x63: {  	_ =	shalt  }
0x64: {  	_ =	shalt  }
0x65: {  	_ =	shalt  }
0x66: {  	_ =	shalt  }
0x67: {  	_ =	shalt  }
0x68: {  	_ =	shalt  }
0x69: {  	_ =	shalt  }
0x6a: {  	_ =	shalt  }
0x6b: {  	_ =	shalt  }
0x6c: {  	_ =	shalt  }
0x6d: {  	_ =	shalt  }
0x6e: {  	_ =	shalt  }
0x6f: {  	_ =	shalt  }
0x70: {  	_ =	shalt  }
0x71: {  	_ =	shalt  }
0x72: {  	_ =	shalt  }
0x73: {  	_ =	shalt  }
0x74: {  	_ =	shalt  }
0x75: {  	_ =	shalt  }
0x76: {  	_ =	shalt  }
0x77: {  	_ =	shalt  }
0x78: {  	_ =	shalt  }
0x79: {  	_ =	shalt  }
0x7a: {  	_ =	shalt  }
0x7b: {  	_ =	shalt  }
0x7c: {  	_ =	shalt  }
0x7d: {  	_ =	shalt  }
0x7e: {  	_ =	shalt  }
0x7f: {  	_ =	shalt  }
0x80: {  	_ =	shalt  }
0x81: {  	_ =	shalt  }
0x82: {  	_ =	shalt  }
0x83: {  	_ =	shalt  }
0x84: {  	_ =	shalt  }
0x85: {  	_ =	shalt  }
0x86: {  	_ =	shalt  }
0x87: {  	_ =	shalt  }
.Lfunc_end0:
.L_simem_size_0:
called_computation.1_lowered:
.L_overlay_start_0:
0x88: {  	s2 =	sld [smem:$0x3FD9]  }
0x89: {  	s3 =	sld [smem:$0x3FFE];
	_ =	sdelay $0x1  }
0x8a: {  	s1 =	srdreg.scid  }
0x8b: {  	s0 =	sand.u32 $0x1, s1  }
0x8c: {  	s17 =	sshll.u32 s0, $0xA;
	s2 =	sadd.s32 s3, s2  }
0x8d: {  	s2 =	sadd.s32 s2, s17  }
0x8e: {  	[smem:$0x3FBE] =	sst s2  }
0x8f: {  	_ = 	snop  }
0x90: {  	s2 =	sld [smem:$0x3FD0];
	(tm) =	ssettm $0x1  }
0x91: {  	s18 =	sld [smem:$0x3FFB];
	_ =	sdelay $0x3  }
0x92: {  	_ =	strace s18  }
0x93: {  	s3 =	sld [smem:$0x3FFC];
	_ =	sdelay $0x3  }
0x94: {  	_ =	strace s3  }
0x95: {  	s3 =	sld [smem:$0x3FFD];
	_ =	sdelay $0x3  }
0x96: {  	_ =	strace s3  }
0x97: {  	_ =	strace $0x8FFFFFFF  }
0x98: {  	s19 =	sld [smem:$0x3FDB];
	_ =	sdelay $0x1  }
0x99: {  	s4 =	simm.s32 $_scs_section_size  }
0x9a: {  	s5 =	simm.s32 $_size__tile_overlayer_lowered;
	s6 =	simm.s32 $_tile_overlayer_lowered  }
0x9b: {  	s22 =	simm.s32 $0x1BFF;
	s21 =	sshll.u32 s6, $0x1;
	s3 =	sadd.s32 s4, s19  }
0x9c: {  	s7 =	simm.s32 $0x0;
	s20 =	sshll.u32 s5, $0x1;
	s5 =	sadd.s32 s21, s3  }
0x9d: {  	[timem:s7], [sflag:s22] =	dma.local [hbm:s5], s20  }
0x9e: {  	_ =	swait.ge [sflag:s22], s20  }
0x9f: {  	s4 =	ssub.s32 $0x0, s20;
	[sflag:s22] =	ssyncset.done $0x0  }
0xa0: {  	[sflag:s22] =	ssyncadd.s32 s4;
	_ =	sdelay $0x1  }
0xa1: {  	s23 =	simm.s32 $0x1B8B  }
0xa2: {  	_ =	swait.ge [sflag:s23], $0x1  }
0xa3: {  	[sflag:s23] =	ssyncset.done $0x0  }
0xa4: {  	s25 =	simm.s32 $0x1B8E;
	s24 =	sld [smem:$0x3FFE];
	[sflag:s23] =	ssyncadd.s32 $0xFFFFFFFF  }
0xa5: {  	s26 =	simm.s32 $execute0_lowered;
	[smem:$0x3FD2] =	sst s25  }
0xa6: {  	s5 =	sshll.u32 s26, $0x1;
	_ =	strace $0x80000049;
	[dreg:$0x1] =	wrdreg $0xFFFFFFFF  }
0xa7: {  	s28 =	simm.s32 $_size_execute0_lowered;
	s3 =	sadd.s32 s3, s5;
	[dreg:$0x0] =	wrdreg $0x0  }
0xa8: {  	s5 =	sshll.u32 s28, $0x1;
	[dreg:$0x2] =	wrdreg s3  }
0xa9: {  	[dreg:$0x3] =	wrdreg s5  }
0xaa: {  	[dreg:$0x4] =	wrdreg $0xC0  }
0xab: {  	_ =	task [dreg:s7], $0x5FFFF  }
0xac: {  	[dreg:$0x1] =	wrdreg $0xFFFFFFFF  }
0xad: {  	[dreg:$0x0] =	wrdreg $0x60  }
0xae: {  	[dreg:$0x2] =	wrdreg s24  }
0xaf: {  	[dreg:$0x3] =	wrdreg s2  }
0xb0: {  	[dreg:$0x4] =	wrdreg $0xBF000  }
0xb1: {  	[dreg:$0x5] =	wrdreg $0x9  }
0xb2: {  	_ =	task.clear_ibuf [dreg:s7], $0x6FFFF;
	_ =	strace $0x90000049  }
0xb3: {  	s29 =	simm.s32 $0x9;
	_ =	strace $0x8000004B  }
0xb4: {  	_ =	swait.ge [sflag:s29], $0x1  }
0xb5: {  	[sflag:s29] =	ssyncadd.s32 $0xFFFFFFFF  }
0xb6: {  	_ =	strace $0x9000004B  }
0xb7: {  	_ =	sfence  }
0xb8: {  	s30 =	sld [smem:$0x0];
	_ =	sdelay $0x2  }
0xb9: {  	s31 =	sshll.u32 s1, $0xD;
	s1 =	sshrl.u32 s1, $0x2  }
0xba: {  	s3 =	sand.u32 $0x4000, s31;
	s1 =	sadd.s32 s1, s30  }
0xbb: {  	s0 =	sor.u32 s3, s0;
	s1 =	sshll.u32 s1, $0x11  }
0xbc: {  	s0 =	sor.u32 s1, s0  }
0xbd: {  	s0 =	sadd.s32 $0x8F2B, s0  }
0xbe: {  	[sflag:s0] =	ssyncadd.remote.s32 $0x1  }
0xbf: {  	_ =	sfence.sel $0xFFFF  }
0xc0: {  	[dreg:$0x0] =	wrdreg $0xFFFFFFFF;
	(pc) =	sbr.abs _section_cstart, $3  }
0xc1: {  	[dreg:$0x1] =	wrdreg $0xFFFFFFFF  }
0xc2: {  	_ =	task.clear_ibuf [dreg:s7], $0x2FFFF;
	_ =	strace $0x9FFFFFFF  }
0xc3: {  	(tm) =	ssettm $0x7FFFFFFF  }
tec
execute0_lowered:
.L_overlay_start_1:
0x0: {  	(tag) =	ssettag $0x1  }
0x1: {  	s0 =	rddreg [dreg:$0x0]  }
0x2: {  	s6 =	rddreg [dreg:$0x1]  }
0x3: {  	s2 =	rddreg [dreg:$0x2]  }
0x4: {  	s1 =	stileid.u32;
	s4 =	srdreg.scid  }
0x5: {  	s3 =	simm.s32 $0x0;
	s10 =	simm.s32 $0x7C;
	s20 =	simm.s32 $0x3  }
0x6: {  	s28 =	simm.s32 $0x3E80;
	s30 =	simm.s32 $0x0;
	s5 =	smul.u32 $0x1200, s1  }
0x7: {  	s8 =	sand.u32 $0x1, s4;
	s12 =	smul.u32 $0x3E00, s1;
	[smem:$0x7FF] =	sst s3  }
0x8: {  	s4 =	sadd.s32 $0x15600, s0;
	s13 =	sadd.s32 $0xB600, s0;
	s22 =	smul.u32 $0x50000, s1  }
0x9: {  	s15 =	sadd.s32 $0x3C800, s0;
	p0 =	seq.s32 s1, $0xF;
	s11 =	smul.u32 $0x2800, s1  }
0xa: {  	p3 =	sne.s32 s1, $0xF;
	s9 =	sadd.s32 $0x25800, s6;
	s17 =	smul.u32 $0x14000, s1  }
0xb: {  	p2 =	seq.s32 s8, $0x0;
	_ =	strace $0x8000004A;
	s21 =	ssub.s32 $0x2, s8  }
0xc: {  	p5 =	seq.s32 s8, $0x1;
	s24 =	smul.u32 $0x140000, s8;
	[dreg:$0x6] =	wrdreg s9  }
0xd: {  	s5 =	sadd.s32 $0x3E000, s5;
	s7 =	sshrl.u32 s21, $0x1;
	p1 =	por !p2, !p3  }
0xe: {  	p4 =	por !p2, !p0;
	p3 =	por !p3, !p5;
	s23 =	sadd.s32 s4, s11  }
0xf: {  	s6 =	sadd.s32 s6, s11;
	s10 =	simm.s32 @!p2 $0x24;
	s25 =	sshrl.u32 s12, $0x3  }
0x10: {  	p6 =	por !p0, !p5;
	s5 =	smov.u32 @p2 s12;
	s16 =	ssub.s32 s21, s7  }
0x11: {  	p1 =	por !p1, !p1;
	p4 =	por !p4, !p4;
	[dreg:$0x5] =	wrdreg s23  }
0x12: {  	s7 =	sshrl.u32 s22, $0x2;
	[dreg:$0x7] =	wrdreg s6;
	s6 =	sadd.s32 s13, s25  }
0x13: {  	s26 =	sshrl.u32 s24, $0x3;
	p2 =	por !p6, !p6;
	s31 =	sshll.u32 s10, $0x4  }
0x14: {  	p6 =	sne.s32 s8, $0x0;
	s21 =	simm.s32 $0x80;
	s22 =	simm.s32 $0x3F00  }
0x15: {  	s23 =	simm.s32 $0x7F00;
	s25 =	simm.s32 $0x3E00;
	s14 =	sshrl.u32 s5, $0x3  }
0x16: {  	s5 =	simm.s32 @!p4 $0x0;
	s7 =	sadd.s32 s7, s2;
	[dreg:$0x8] =	wrdreg s6  }
0x17: {  	s6 =	sadd.s32 s15, s26;
	s16 =	smax.u32 s16, $0x1;
	s26 =	simm.s32 $0x2  }
0x18: {  	s19 =	sadd.s32 s14, s0;
	s5 =	simm.s32 @p4 $0x1;
	s0 =	sadd.s32 $0x3AE00, s0  }
0x19: {  	p4 =	por !p3, !p3;
	s29 =	sadd.s32 s13, s14;
	[smem:$0x7FC] =	sst s5  }
0x1a: {  	s14 =	sadd.s32 $0x25800, s6;
	[dreg:$0x4] =	wrdreg s0;
	s0 =	sadd.s32 s17, s24  }
0x1b: {  	s5 =	sadd.s32 $0x12C000, s2;
	[dreg:$0x9] =	wrdreg s29;
	s0 =	sshrl.u32 s0, $0x3  }
0x1c: {  	s17 =	sadd.s32 $0xFFFFFFE0, s31;
	s15 =	sadd.s32 s15, s0;
	s0 =	simm.s32 @!p5 $0x0  }
0x1d: {  	s18 =	sadd.s32 $0x1610, s19;
	s19 =	sadd.s32 $0x1600, s19;
	s0 =	simm.s32 @p5 $0x1  }
0x1e: {  	s24 =	simm.s32 $0x1;
	p5 =	por !p2, p4;
	[smem:$0x7FD] =	sst s0  }
.LBB2_1:
.Ltmp0:
0x1f: {  	(pc) =	sbr.rel @!p1 .LBB2_5-.Ltmp0, $1  }
0x20: {  	_ =	sdelay $0x3  }
0x21: {  	s0 =	sshll.u32 s1, $0x6;
	s6 =	sshrl.u32 s7, $0x3  }
.Ltmp1:
0x22: {  	s8 =	rddreg [dreg:$0x5];
	s0 =	sor.u32 $0x1C03, s0;
	(pc) =	sbr.rel .LBB2_3-.Ltmp1, $4  }
0x23: {  	[spmem:s6], [sflag:s0] =	dma.local [hbm:s8], $0x2800  }
0x24: {  	_ =	swait.ge [sflag:s20], $0x2800  }
0x25: {  	[sflag:s20] =	ssyncset.done $0x0  }
0x26: {  	[sflag:s20] =	ssyncadd.s32 $0xFFFFD800  }
.LBB2_5:
0x27: {  	s0 =	sld [smem:$0x7FC];
	_ =	sdelay $0x2  }
0x28: {  	p2 =	seq.s32 s0, $0x1  }
.Ltmp2:
0x29: {  	_ = 	snop;
	(pc) =	sbr.rel @!p2 .LBB2_3-.Ltmp2, $1  }
0x2a: {  	_ =	sdelay $0x3  }
0x2b: {  	s0 =	sshrl.u32 s5, $0x3;
	s6 =	rddreg [dreg:$0x4];
	s8 =	simm.s32 $0x1FC3  }
0x2c: {  	[spmem:s0], [sflag:s8] =	dma.local [hbm:s6], $0x1900  }
0x2d: {  	_ =	swait.ge [sflag:s20], $0x1900  }
0x2e: {  	[sflag:s20] =	ssyncset.done $0x0  }
0x2f: {  	[sflag:s20] =	ssyncadd.s32 $0xFFFFE700  }
0x30: {  	[bflag:$0x0] =	sbarrier.arrive $0xFFFF  }
.Ltmp3:
0x31: {  	s31 =	rddreg [dreg:$0x8];
	(pc) =	sbr.rel .LBB2_9-.Ltmp3, $4  }
0x32: {  	[tilespmem:s3], [sflag:$0x3] =	stream.linear.gather [hbm4b:s31+s3], $0x3E00, $0x38;
	[tilespmem:$0x1FF00] =	vst v63  }
0x33: {  	_ =	swait.ge [sflag:s20], $0x3E00  }
0x34: {  	[sflag:s20] =	ssyncset.done $0x0  }
0x35: {  	[sflag:s20] =	ssyncadd.s32 $0xFFFFC200  }
.LBB2_3:
0x36: {  	s0 =	sshrl.u32 @!p5 s5, $0x3;
	s6 =	simm.s32 @!p5 $0x1FC3;
	s8 =	rddreg [dreg:$0x6]  }
0x37: {  	[spmem:s0], [sflag:s6] =	dma.local @!p5 [hbm:s8], $0x1900  }
0x38: {  	s0 =	simm.s32 @!p5 $0x3  }
0x39: {  	_ =	swait.ge @!p5 [sflag:s0], $0x1900  }
0x3a: {  	s6 =	sshll.u32 @p4 s1, $0x6;
	[sflag:s0] =	ssyncset.done @!p5 $0x0;
	s8 =	rddreg [dreg:$0x7]  }
0x3b: {  	[sflag:s0] =	ssyncadd.s32 @!p5 $0xFFFFE700;
	s0 =	sor.u32 @p4 $0x1C03, s6;
	s6 =	sshrl.u32 @p4 s7, $0x3  }
0x3c: {  	[spmem:s6], [sflag:s0] =	dma.local @p4 [hbm:s8], $0x2800  }
0x3d: {  	s0 =	simm.s32 @p4 $0x3  }
0x3e: {  	_ =	swait.ge @p4 [sflag:s0], $0x2800  }
0x3f: {  	s31 =	sld [smem:$0x7FD]  }
.Ltmp4:
0x40: {  	_ = 	snop;
	(pc) =	sbr.rel @p6 .LBB2_7-.Ltmp4, $4  }
0x41: {  	[sflag:s0] =	ssyncset.done @p4 $0x0  }
0x42: {  	p2 =	por @!p5 $0x1, $0x1;
	[sflag:s0] =	ssyncadd.s32 @p4 $0xFFFFD800;
	p3 =	seq.s32 s31, $0x1  }
0x43: {  	[bflag:$0x0] =	sbarrier.arrive $0xFFFF;
	p3 =	por @!p5 p2, p2;
	p2 =	por @p4 $0x1, $0x1  }
0x44: {  	p2 =	por @!p4 p3, p3  }
0x45: {  	s0 =	rddreg [dreg:$0x8]  }
0x46: {  	[tilespmem:s3], [sflag:$0x3] =	stream.linear.gather [hbm4b:s0+s3], $0x3E00, $0x38;
	[tilespmem:$0x1FF00] =	vst v63  }
.Ltmp5:
0x47: {  	_ = 	snop;
	(pc) =	sbr.rel @p2 .LBB2_8-.Ltmp5, $4  }
.Ltmp6:
0x48: {  	_ = 	snop;
	(pc) =	sbr.rel @!p2 .LBB2_9-.Ltmp6, $4  }
0x49: {  	_ =	swait.ge [sflag:s20], $0x3E00  }
0x4a: {  	[sflag:s20] =	ssyncset.done $0x0  }
0x4b: {  	[sflag:s20] =	ssyncadd.s32 $0xFFFFC200  }
0x4c: {  	_ = 	snop  }
.LBB2_7:
.Ltmp7:
0x4d: {  	(pc) =	sbr.rel @!p2 .LBB2_9-.Ltmp7, $1  }
0x4e: {  	_ =	sdelay $0x3  }
.LBB2_8:
0x4f: {  	s0 =	rddreg [dreg:$0x9]  }
0x50: {  	[tilespmem:s3], [sflag:$0x3] =	stream.linear.gather [hbm4b:s0+s3], $0x1200, $0x38;
	[tilespmem:$0x1FF00] =	vst v63  }
0x51: {  	_ =	swait.ge [sflag:s20], $0x1200  }
0x52: {  	[sflag:s20] =	ssyncset.done $0x0  }
0x53: {  	[sflag:s20] =	ssyncadd.s32 $0xFFFFEE00  }
.LBB2_9:
0x54: {  	s0 =	simm.s32 $0x0  }
0x55: {  	[tilespmem:s22], [sflag:$0x1] =	stream.indirect.gather [hbm4b:s4+s21], $0x80, s0, s21, $0xb8;
	[tilespmem:$0x1FF00] =	vst v63  }
0x56: {  	_ = 	snop  }
0x57: {  	[tilespmem:s23], [sflag:$0x2] =	stream.indirect.gather [hbm4b:s4+s21], $0x80, s21, s21, $0xb8;
	[tilespmem:$0x1FF00] =	vst v63  }
0x58: {  	_ =	swait.ge [sflag:s24], $0x4000  }
0x59: {  	[sflag:s24] =	ssyncset.done $0x0  }
0x5a: {  	s12 =	sadd.s32 $0x0, s19;
	[sflag:s24] =	ssyncadd.s32 $0xFFFFC000  }
0x5b: {  	[tilespmem:s25], [sflag:$0x3] =	stream.linear.gather [hbm4b:s12+s3], $0x80, $0x38;
	[tilespmem:$0x1FF00] =	vst v63  }
0x5c: {  	_ =	swait.ge [sflag:s20], $0x80  }
0x5d: {  	[sflag:s20] =	ssyncset.done $0x0  }
0x5e: {  	[sflag:s20] =	ssyncadd.s32 $0xFFFFFF80  }
0x5f: {  	[spmem:s2] =	stream.indirect.scatter.add.f32 [tilespmem:s22], [sflag:$0x3], $0x80, s25, s21, $0xb8;
	[tilespmem:$0x1FF00] =	vst v63  }
0x60: {  	p2 =	sle.u32 s10, $0x2;
	_ =	swait.ge [sflag:s20], $0x4000  }
0x61: {  	s0 =	simm.s32 @!p2 $0x100;
	[sflag:s20] =	ssyncset.done $0x0  }
0x62: {  	s6 =	simm.s32 @!p2 $0x80;
	s8 =	simm.s32 @!p2 $0x3F00;
	[sflag:s20] =	ssyncadd.s32 $0xFFFFC000  }
0x63: {  	[tilespmem:s8], [sflag:$0x1] =	stream.indirect.gather @!p2 [hbm4b:s4+s6], $0x80, s0, s6, $0xb8;
	[tilespmem:$0x1FF00] =	vst v63  }
0x64: {  	_ =	swait.ge [sflag:s26], $0x4000  }
0x65: {  	[sflag:s26] =	ssyncset.done $0x0  }
0x66: {  	s13 =	sadd.s32 $0x0, s18;
	[sflag:s26] =	ssyncadd.s32 $0xFFFFC000  }
0x67: {  	[tilespmem:s28], [sflag:$0x3] =	stream.linear.gather [hbm4b:s13+s3], $0x80, $0x38;
	[tilespmem:$0x1FF00] =	vst v63  }
0x68: {  	s31 =	simm.s32 $0x180;
	p2 =	sne.s32 s17, $0x20;
	_ =	swait.ge [sflag:s20], $0x80  }
.Ltmp8:
0x69: {  	p3 =	sle.u32 s10, $0x3;
	[sflag:s20] =	ssyncset.done $0x0;
	(pc) =	sbr.rel @!p2 .LBB2_11-.Ltmp8, $4  }
0x6a: {  	s29 =	simm.s32 $0x20;
	s12 =	simm.s32 @!p3 $0x7F00;
	[sflag:s20] =	ssyncadd.s32 $0xFFFFFF80  }
0x6b: {  	[spmem:s2] =	stream.indirect.scatter.add.f32 [tilespmem:s23], [sflag:$0x3], $0x80, s28, s21, $0xb8;
	[tilespmem:$0x1FF00] =	vst v63  }
0x6c: {  	s0 =	simm.s32 $0x5;
	s8 =	simm.s32 @!p3 $0x80;
	_ =	swait.ge [sflag:s20], $0x4000  }
0x6d: {  	s6 =	simm.s32 $0x180;
	s13 =	simm.s32 $0x180;
	[sflag:s20] =	ssyncset.done $0x0  }
.LBB2_10:
0x6e: {  	s6 =	smov.u32 s31;
	s31 =	sadd.s32 $0x100, s31  }
0x6f: {  	s9 =	smov.u32 s29;
	s29 =	sadd.s32 $0x20, s29;
	[sflag:s20] =	ssyncadd.s32 $0xFFFFC000  }
0x70: {  	[tilespmem:s12], [sflag:$0x2] =	stream.indirect.gather @!p3 [hbm4b:s4+s8], $0x80, s13, s8, $0xb8;
	[tilespmem:$0x1FF00] =	vst v63  }
0x71: {  	p2 =	sne.s32 s17, s29;
	s13 =	smov.u32 s31;
	_ =	swait.ge [sflag:s24], $0x4000  }
0x72: {  	s8 =	sadd.s32 s9, s19;
	[sflag:s24] =	ssyncset.done $0x0  }
0x73: {  	[sflag:s24] =	ssyncadd.s32 $0xFFFFC000  }
0x74: {  	[tilespmem:s25], [sflag:$0x3] =	stream.linear.gather [hbm4b:s8+s3], $0x80, $0x38;
	[tilespmem:$0x1FF00] =	vst v63  }
0x75: {  	_ =	swait.ge [sflag:s20], $0x80  }
0x76: {  	[sflag:s20] =	ssyncset.done $0x0  }
0x77: {  	s8 =	sadd.s32 $0xFFFFFFFF, s0;
	[sflag:s20] =	ssyncadd.s32 $0xFFFFFF80  }
0x78: {  	[spmem:s2] =	stream.indirect.scatter.add.f32 [tilespmem:s22], [sflag:$0x3], $0x80, s25, s21, $0xb8;
	[tilespmem:$0x1FF00] =	vst v63  }
0x79: {  	p3 =	sge.u32 s8, s10;
	_ =	swait.ge [sflag:s20], $0x4000  }
0x7a: {  	s8 =	sadd.s32 @!p3 $0xFFFFFF80, s31;
	s12 =	simm.s32 @!p3 $0x80;
	[sflag:s20] =	ssyncset.done $0x0  }
0x7b: {  	s11 =	simm.s32 @!p3 $0x3F00;
	[sflag:s20] =	ssyncadd.s32 $0xFFFFC000  }
0x7c: {  	[tilespmem:s11], [sflag:$0x1] =	stream.indirect.gather @!p3 [hbm4b:s4+s12], $0x80, s8, s12, $0xb8;
	[tilespmem:$0x1FF00] =	vst v63  }
0x7d: {  	_ =	swait.ge [sflag:s26], $0x4000  }
0x7e: {  	s8 =	sadd.s32 s9, s18;
	[sflag:s26] =	ssyncset.done $0x0  }
0x7f: {  	[sflag:s26] =	ssyncadd.s32 $0xFFFFC000  }
0x80: {  	[tilespmem:s28], [sflag:$0x3] =	stream.linear.gather [hbm4b:s8+s3], $0x80, $0x38;
	[tilespmem:$0x1FF00] =	vst v63  }
0x81: {  	_ =	swait.ge [sflag:s20], $0x80  }
.Ltmp9:
0x82: {  	[sflag:s20] =	ssyncset.done $0x0;
	(pc) =	sbr.rel @p2 .LBB2_10-.Ltmp9, $4  }
0x83: {  	[sflag:s20] =	ssyncadd.s32 $0xFFFFFF80  }
0x84: {  	[spmem:s2] =	stream.indirect.scatter.add.f32 [tilespmem:s23], [sflag:$0x3], $0x80, s28, s21, $0xb8;
	[tilespmem:$0x1FF00] =	vst v63  }
0x85: {  	p3 =	sge.u32 s0, s10;
	s0 =	sadd.s32 $0x2, s0;
	_ =	swait.ge [sflag:s20], $0x4000  }
0x86: {  	s12 =	simm.s32 @!p3 $0x7F00;
	s8 =	simm.s32 @!p3 $0x80;
	[sflag:s20] =	ssyncset.done $0x0  }
.LBB2_11:
0x87: {  	[sflag:s20] =	ssyncadd.s32 $0xFFFFC000  }
0x88: {  	[tilespmem:s12], [sflag:$0x2] =	stream.indirect.gather @!p3 [hbm4b:s4+s8], $0x80, s13, s8, $0xb8;
	[tilespmem:$0x1FF00] =	vst v63  }
0x89: {  	_ =	swait.ge [sflag:s24], $0x4000  }
0x8a: {  	[sflag:s24] =	ssyncset.done $0x0  }
0x8b: {  	s12 =	sadd.s32 s29, s19;
	[sflag:s24] =	ssyncadd.s32 $0xFFFFC000  }
0x8c: {  	[tilespmem:s25], [sflag:$0x3] =	stream.linear.gather [hbm4b:s12+s3], $0x80, $0x38;
	[tilespmem:$0x1FF00] =	vst v63  }
0x8d: {  	_ =	swait.ge [sflag:s20], $0x80  }
0x8e: {  	[sflag:s20] =	ssyncset.done $0x0  }
0x8f: {  	s13 =	sadd.s32 $0xFFFFFFFF, s0;
	[sflag:s20] =	ssyncadd.s32 $0xFFFFFF80  }
0x90: {  	[spmem:s2] =	stream.indirect.scatter.add.f32 [tilespmem:s22], [sflag:$0x3], $0x80, s25, s21, $0xb8;
	[tilespmem:$0x1FF00] =	vst v63  }
0x91: {  	p2 =	sge.u32 s13, s10;
	_ =	swait.ge [sflag:s20], $0x4000  }
0x92: {  	s6 =	sadd.s32 @!p2 $0x80, s6;
	[sflag:s20] =	ssyncset.done $0x0  }
0x93: {  	s8 =	simm.s32 @!p2 $0x80;
	s9 =	simm.s32 @!p2 $0x3F00;
	[sflag:s20] =	ssyncadd.s32 $0xFFFFC000  }
0x94: {  	[tilespmem:s9], [sflag:$0x1] =	stream.indirect.gather @!p2 [hbm4b:s4+s8], $0x80, s6, s8, $0xb8;
	[tilespmem:$0x1FF00] =	vst v63  }
0x95: {  	_ =	swait.ge [sflag:s26], $0x4000  }
0x96: {  	[sflag:s26] =	ssyncset.done $0x0  }
0x97: {  	s29 =	sadd.s32 s29, s18;
	[sflag:s26] =	ssyncadd.s32 $0xFFFFC000  }
0x98: {  	[tilespmem:s28], [sflag:$0x3] =	stream.linear.gather [hbm4b:s29+s3], $0x80, $0x38;
	[tilespmem:$0x1FF00] =	vst v63  }
0x99: {  	_ =	swait.ge [sflag:s20], $0x80  }
0x9a: {  	[sflag:s20] =	ssyncset.done $0x0  }
0x9b: {  	[sflag:s20] =	ssyncadd.s32 $0xFFFFFF80  }
0x9c: {  	[spmem:s2] =	stream.indirect.scatter.add.f32 [tilespmem:s23], [sflag:$0x3], $0x80, s28, s21, $0xb8;
	[tilespmem:$0x1FF00] =	vst v63  }
0x9d: {  	_ =	swait.ge [sflag:s20], $0x4000  }
0x9e: {  	s6 =	sadd.s32 $0x100, s31;
	p2 =	sge.u32 s0, s10;
	[sflag:s20] =	ssyncset.done $0x0  }
0x9f: {  	s0 =	simm.s32 @!p2 $0x80;
	s8 =	simm.s32 @!p2 $0x7F00;
	[sflag:s20] =	ssyncadd.s32 $0xFFFFC000  }
0xa0: {  	[tilespmem:s8], [sflag:$0x2] =	stream.indirect.gather @!p2 [hbm4b:s4+s0], $0x80, s6, s0, $0xb8;
	[tilespmem:$0x1FF00] =	vst v63  }
0xa1: {  	s0 =	sshrl.u32 @p0 s5, $0x3;
	s6 =	simm.s32 @p0 $0x1FC3;
	[bflag:$0x0] =	sbarrier.arrive $0xFFFF  }
0xa2: {  	[hbm:s14], [sflag:s6] =	dma.local @p0 [spmem:s0], $0x1900  }
0xa3: {  	s0 =	simm.s32 @p0 $0x3  }
0xa4: {  	s30 =	sadd.s32 $0x1, s30;
	_ =	swait.ge @p0 [sflag:s0], $0x1900  }
0xa5: {  	p2 =	sne.s32 s30, s16;
	s6 =	sshll.u32 @!p0 s1, $0x6;
	[sflag:s0] =	ssyncset.done @p0 $0x0  }
0xa6: {  	[sflag:s0] =	ssyncadd.s32 @p0 $0xFFFFE700;
	s0 =	sor.u32 @!p0 $0x1C03, s6;
	s6 =	sshrl.u32 @!p0 s7, $0x3  }
0xa7: {  	[hbm:s15], [sflag:s0] =	dma.local @!p0 [spmem:s6], $0x2800  }
.Ltmp10:
0xa8: {  	_ = 	snop;
	(pc) =	sbr.rel @p2 .LBB2_1-.Ltmp10, $4  }
0xa9: {  	s0 =	simm.s32 @!p0 $0x3  }
0xaa: {  	_ =	swait.ge @!p0 [sflag:s0], $0x2800  }
0xab: {  	[sflag:s0] =	ssyncset.done @!p0 $0x0  }
0xac: {  	[sflag:s0] =	ssyncadd.s32 @!p0 $0xFFFFD800  }
0xad: {  	_ =	sfence.sel $0x180000  }
0xae: {  	[bflag:$0x0] =	sbarrier.arrive $0xFFFF  }
0xaf: {  	_ =	strace $0x9000004A  }
0xb0: {  	[bflag:$0x2] =	sbarrier.arrive $0xFFFF  }
0xb1: {  	p0 =	sne.s32 s1, $0x0;
	s0 =	rddreg [dreg:$0x3]  }
0xb2: {  	s0 =	sadd.s32 @!p0 $0x100000, s0  }
0xb3: {  	[sflag:s0] =	ssyncadd.tile.s32 @!p0 $0x1;
	_ =	shalt  }
.Lfunc_end2:
_tile_overlayer_lowered:
.L_overlay_start_2:
0xb4: {  	(tag) =	ssettag $0x2  }
0xb5: {  	s0 =	rddreg [dreg:$0x0];
	s2 =	stileid.u32  }
0xb6: {  	s1 =	rddreg [dreg:$0x1];
	p0 =	sne.s32 s2, $0x0  }
0xb7: {  	s3 =	rddreg [dreg:$0x2];
	[bflag:$0x3] =	sbarrier.arrive $0xFFFF;
	s2 =	simm.s32 @!p0 $0x1C03  }
0xb8: {  	[timem:s3], [sflag:s2] =	dma.local @!p0 [hbm:s0], s1  }
0xb9: {  	s0 =	simm.s32 @!p0 $0x3  }
0xba: {  	_ =	swait.ge @!p0 [sflag:s0], s1  }
0xbb: {  	s1 =	ssub.s32 @!p0 $0x0, s1;
	[sflag:s0] =	ssyncset.done @!p0 $0x0  }
0xbc: {  	[sflag:s0] =	ssyncadd.s32 @!p0 s1  }
0xbd: {  	[bflag:$0x3] =	sbarrier.arrive $0xFFFF  }
0xbe: {  	_ =	shalt  }

</sc_bundles>
